<compile_context>
chip_gen: v7x
topology: tpu7x:2x2x1
jax: 0.10.2.dev20260603
libtpu: 0.0.44.dev20260713+nightly
codegen_flags: <defaults>
</compile_context>

<pallas_src>
import functools

import jax
import jax.numpy as jnp
from jax import lax
from jax.experimental import pallas as pl
from jax.experimental.pallas import tpu as pltpu
from jax.experimental.pallas import tpu_sc as plsc

N = 320000
D = 128
C = 1000
C_PAD = 1024
NC = 2
NS = 16
NW = NC * NS
CHUNK = 256
N_CHUNKS = N // CHUNK
MAX_ITERS = -(-N_CHUNKS // NW)

_mesh = plsc.VectorSubcoreMesh(core_axis_name="c", subcore_axis_name="s")


@functools.partial(
    pl.kernel,
    out_type=(
        jax.ShapeDtypeStruct((NC, C_PAD, D), jnp.float32),
        jax.ShapeDtypeStruct((NW, C_PAD), jnp.float32),
    ),
    mesh=_mesh,
    compiler_params=pltpu.CompilerParams(needs_layout_passes=False),
    scratch_types=[
        pltpu.VMEM((2, CHUNK, D), jnp.float32),
        pltpu.VMEM((2, 2, 128), jnp.int32),
        pltpu.VMEM((64, D), jnp.float32),
        pltpu.VMEM((C_PAD,), jnp.float32),
        pltpu.VMEM_SHARED((C_PAD, D), jnp.float32),
        pltpu.SemaphoreType.DMA,
        pltpu.SemaphoreType.DMA,
    ],
)
def _segment_sum_sc(emb_hbm, lab_hbm, sums_hbm, cnts_hbm,
                    buf_v, idx_v, z_v, hist_v, acc_s, gsem0, gsem1):
    c = lax.axis_index("c")
    s = lax.axis_index("s")
    w = s * NC + c
    gsems = (gsem0, gsem1)

    zero16 = jnp.zeros((16,), jnp.float32)
    ones16 = zero16 + 1.0

    def _fill_z(i, _):
        for j in range(D // 16):
            z_v[i, pl.ds(j * 16, 16)] = zero16
        return 0
    lax.fori_loop(0, 64, _fill_z, 0)
    for q in range(C_PAD // 16):
        hist_v[pl.ds(q * 16, 16)] = zero16

    def _gather_start(cid, b):
        pltpu.async_copy(emb_hbm.at[pl.ds(cid * CHUNK, CHUNK)],
                         buf_v.at[b], gsems[b])
        pltpu.async_copy(lab_hbm.at[cid], idx_v.at[b], gsems[b])

    def _gather_wait(b):
        pltpu.make_async_copy(emb_hbm.at[pl.ds(0, CHUNK)],
                              buf_v.at[b], gsems[b]).wait()
        pltpu.make_async_copy(lab_hbm.at[0], idx_v.at[b], gsems[b]).wait()

    def _process(b):
        for j in range(CHUNK // 128):
            for q in range(8):
                labv = idx_v[b, j, pl.ds(q * 16, 16)]
                plsc.addupdate_scatter(hist_v, [labv], ones16)

    pltpu.sync_copy(z_v, acc_s.at[pl.ds(s * 64, 64)])
    plsc.subcore_barrier()

    _gather_start(w, 0)

    def _body(i2, _):
        for b in range(2):
            i = i2 * 2 + b
            cid = w + i * NW

            @pl.when(cid < N_CHUNKS)
            def _():
                nxt = cid + NW

                @pl.when(nxt < N_CHUNKS)
                def _():
                    _gather_start(nxt, 1 - b)
                _gather_wait(b)
                _process(b)
        return 0
    lax.fori_loop(0, MAX_ITERS // 2, _body, 0)

    plsc.subcore_barrier()

    pltpu.sync_copy(acc_s.at[pl.ds(s * 64, 64)], sums_hbm.at[c, pl.ds(s * 64, 64)])
    pltpu.sync_copy(hist_v, cnts_hbm.at[w])


def _combine_body(sums_ref, cnts_ref, out_ref):
    tot = sums_ref[0] + sums_ref[1]
    cnt = jnp.sum(cnts_ref[...], axis=0)[:, None]
    safe = jnp.maximum(cnt, 1.0)
    out_ref[...] = jnp.where(cnt > 0, tot / safe, 0.0)


_combine = pl.pallas_call(
    _combine_body,
    out_shape=jax.ShapeDtypeStruct((C_PAD, D), jnp.float32),
)


def kernel(embeddings, labels):
    labels = labels.astype(jnp.int32).reshape(N_CHUNKS, CHUNK // 128, 128)
    sums, cnts = _segment_sum_sc(embeddings, labels)
    return sums[0, :C]

# --- scband reference (transcript-rebuilt; emitter-appended) ---
"""Pipeline reference for scband-prototype-layer-88776974008414 (READ-ONLY COPY).

The authoritative reference and input builder live on the scoring server;
editing this copy changes nothing except your own understanding.
"""

import jax, jax.numpy as jnp
import numpy as np

NUM_CLASSES = 1000
HIDDEN_DIM = 128
N = 320000

def setup_inputs(seed: int = 0) -> dict:
    key = jax.random.key(seed)
    k1, k2 = jax.random.split(key)
    embeddings = jax.random.normal(k1, (N, HIDDEN_DIM), dtype=jnp.float32)
    labels = jax.random.randint(k2, (N,), 0, NUM_CLASSES, dtype=jnp.int64)
    return {"embeddings": embeddings, "labels": labels}

def reference(embeddings, labels):
    # Faithful translation of PrototypeLayer.forward (use_confidence=False):
    # per-class mean of embeddings; classes with zero members stay zero.
    sums = jax.ops.segment_sum(embeddings, labels, num_segments=NUM_CLASSES)
    counts = jax.ops.segment_sum(jnp.ones((embeddings.shape[0],), dtype=embeddings.dtype), labels, num_segments=NUM_CLASSES)
    safe_counts = jnp.maximum(counts, 1.0)
    prototypes = jnp.where(counts[:, None] > 0, sums / safe_counts[:, None], 0.0)
    return prototypes

if __name__ == "__main__":
    import jax
    _d = setup_inputs()
    print(jax.jit(kernel)(*tuple(_d.values())))

</pallas_src>

<mosaic_0001>
#map = affine_map<(d0, d1) -> (0, 0)>
#map1 = affine_map<(d0, d1) -> (0, 0, 0)>
module attributes {stable_mosaic.version = 14 : i64} {
  func.func @_segment_sum_sc(%arg0: i32, %arg1: i32, %arg2: memref<320000x128xf32, #tpu.memory_space<hbm>>, %arg3: memref<1250x2x128xi32, #tpu.memory_space<hbm>>, %arg4: memref<2x1024x128xf32, #tpu.memory_space<hbm>>, %arg5: memref<32x1024xf32, #tpu.memory_space<hbm>>, %arg6: memref<2x256x128xf32, #tpu.memory_space<vmem>>, %arg7: memref<2x2x128xi32, #tpu.memory_space<vmem>>, %arg8: memref<64x128xf32, #tpu.memory_space<vmem>>, %arg9: memref<1024xf32, #tpu.memory_space<vmem>>, %arg10: memref<1024x128xf32, #tpu.memory_space<vmem_shared>>, %arg11: memref<!tpu.dma_semaphore, #tpu.memory_space<semaphore_mem>>, %arg12: memref<!tpu.dma_semaphore, #tpu.memory_space<semaphore_mem>>) attributes {dimension_semantics = [#tpu.dimension_semantics<core_parallel>, #tpu.dimension_semantics<subcore_parallel>], iteration_bounds = array<i64: 2, 16>, scalar_prefetch = 0 : i64, scratch_operands = 7 : i64, tpu.core_type = #tpu.core_type<sc_vector_subcore>, window_params = [{transform_indices = #map}, {transform_indices = #map1}, {transform_indices = #map1}, {transform_indices = #map}]} {
    %mul3A = arith.constant 2 : i32
    %mul3A_0 = arith.muli %arg1, %mul3A : i32
    %add3A = arith.addi %mul3A_0, %arg0 : i32
    %broadcast_in_dim3A = arith.constant 0.000000e+00 : f32
    %broadcast_in_dim3A_1 = vector.broadcast %broadcast_in_dim3A : f32 to vector<16xf32>
    %add3A_2 = arith.constant 1.000000e+00 : f32
    %add3A_3 = vector.broadcast %add3A_2 : f32 to vector<16xf32>
    %add3A_4 = arith.addf %broadcast_in_dim3A_1, %add3A_3 : vector<16xf32>
    %scan3A = arith.constant 0 : i32
    %scan3A_5 = arith.constant 0 : i32
    %scan3A_6 = arith.constant 64 : i32
    %scan3A_7 = arith.addi %scan3A_5, %scan3A_6 : i32
    %scan3A_8 = arith.constant 1 : i32
    %scan3A_9 = scf.for %scan3A_183 = %scan3A_5 to %scan3A_7 step %scan3A_8 iter_args(%scan3A_184 = %scan3A) -> (i32)  : i32 {
      %swap3A_185 = arith.index_cast %scan3A_183 : i32 to index
      %swap3A_186 = arith.constant 0 : index
      %swap3A_187 = tpu.vector_load %arg8[%swap3A_185, %swap3A_186] {strides = array<i32>} : memref<64x128xf32, #tpu.memory_space<vmem>>, vector<16xf32>,
      tpu.vector_store %arg8[%swap3A_185, %swap3A_186], %broadcast_in_dim3A_1 {strides = array<i32>} : memref<64x128xf32, #tpu.memory_space<vmem>>, vector<16xf32>,
      %swap3A_188 = arith.index_cast %scan3A_183 : i32 to index
      %swap3A_189 = arith.constant 16 : index
      %swap3A_190 = tpu.vector_load %arg8[%swap3A_188, %swap3A_189] {strides = array<i32>} : memref<64x128xf32, #tpu.memory_space<vmem>>, vector<16xf32>,
      tpu.vector_store %arg8[%swap3A_188, %swap3A_189], %broadcast_in_dim3A_1 {strides = array<i32>} : memref<64x128xf32, #tpu.memory_space<vmem>>, vector<16xf32>,
      %swap3A_191 = arith.index_cast %scan3A_183 : i32 to index
      %swap3A_192 = arith.constant 32 : index
      %swap3A_193 = tpu.vector_load %arg8[%swap3A_191, %swap3A_192] {strides = array<i32>} : memref<64x128xf32, #tpu.memory_space<vmem>>, vector<16xf32>,
      tpu.vector_store %arg8[%swap3A_191, %swap3A_192], %broadcast_in_dim3A_1 {strides = array<i32>} : memref<64x128xf32, #tpu.memory_space<vmem>>, vector<16xf32>,
      %swap3A_194 = arith.index_cast %scan3A_183 : i32 to index
      %swap3A_195 = arith.constant 48 : index
      %swap3A_196 = tpu.vector_load %arg8[%swap3A_194, %swap3A_195] {strides = array<i32>} : memref<64x128xf32, #tpu.memory_space<vmem>>, vector<16xf32>,
      tpu.vector_store %arg8[%swap3A_194, %swap3A_195], %broadcast_in_dim3A_1 {strides = array<i32>} : memref<64x128xf32, #tpu.memory_space<vmem>>, vector<16xf32>,
      %swap3A_197 = arith.index_cast %scan3A_183 : i32 to index
      %swap3A_198 = arith.constant 64 : index
      %swap3A_199 = tpu.vector_load %arg8[%swap3A_197, %swap3A_198] {strides = array<i32>} : memref<64x128xf32, #tpu.memory_space<vmem>>, vector<16xf32>,
      tpu.vector_store %arg8[%swap3A_197, %swap3A_198], %broadcast_in_dim3A_1 {strides = array<i32>} : memref<64x128xf32, #tpu.memory_space<vmem>>, vector<16xf32>,
      %swap3A_200 = arith.index_cast %scan3A_183 : i32 to index
      %swap3A_201 = arith.constant 80 : index
      %swap3A_202 = tpu.vector_load %arg8[%swap3A_200, %swap3A_201] {strides = array<i32>} : memref<64x128xf32, #tpu.memory_space<vmem>>, vector<16xf32>,
      tpu.vector_store %arg8[%swap3A_200, %swap3A_201], %broadcast_in_dim3A_1 {strides = array<i32>} : memref<64x128xf32, #tpu.memory_space<vmem>>, vector<16xf32>,
      %swap3A_203 = arith.index_cast %scan3A_183 : i32 to index
      %swap3A_204 = arith.constant 96 : index
      %swap3A_205 = tpu.vector_load %arg8[%swap3A_203, %swap3A_204] {strides = array<i32>} : memref<64x128xf32, #tpu.memory_space<vmem>>, vector<16xf32>,
      tpu.vector_store %arg8[%swap3A_203, %swap3A_204], %broadcast_in_dim3A_1 {strides = array<i32>} : memref<64x128xf32, #tpu.memory_space<vmem>>, vector<16xf32>,
      %swap3A_206 = arith.index_cast %scan3A_183 : i32 to index
      %swap3A_207 = arith.constant 112 : index
      %swap3A_208 = tpu.vector_load %arg8[%swap3A_206, %swap3A_207] {strides = array<i32>} : memref<64x128xf32, #tpu.memory_space<vmem>>, vector<16xf32>,
      tpu.vector_store %arg8[%swap3A_206, %swap3A_207], %broadcast_in_dim3A_1 {strides = array<i32>} : memref<64x128xf32, #tpu.memory_space<vmem>>, vector<16xf32>,
      %scan3A_209 = arith.constant 0 : i32
      scf.yield %scan3A_209 : i32
    }
    %scan3A_10 = arith.constant 64 : i32
    %swap3A = arith.constant 0 : index
    %swap3A_11 = tpu.vector_load %arg9[%swap3A] {strides = array<i32>} : memref<1024xf32, #tpu.memory_space<vmem>>, vector<16xf32>,
    tpu.vector_store %arg9[%swap3A], %broadcast_in_dim3A_1 {strides = array<i32>} : memref<1024xf32, #tpu.memory_space<vmem>>, vector<16xf32>,
    %swap3A_12 = arith.constant 16 : index
    %swap3A_13 = tpu.vector_load %arg9[%swap3A_12] {strides = array<i32>} : memref<1024xf32, #tpu.memory_space<vmem>>, vector<16xf32>,
    tpu.vector_store %arg9[%swap3A_12], %broadcast_in_dim3A_1 {strides = array<i32>} : memref<1024xf32, #tpu.memory_space<vmem>>, vector<16xf32>,
    %swap3A_14 = arith.constant 32 : index
    %swap3A_15 = tpu.vector_load %arg9[%swap3A_14] {strides = array<i32>} : memref<1024xf32, #tpu.memory_space<vmem>>, vector<16xf32>,
    tpu.vector_store %arg9[%swap3A_14], %broadcast_in_dim3A_1 {strides = array<i32>} : memref<1024xf32, #tpu.memory_space<vmem>>, vector<16xf32>,
    %swap3A_16 = arith.constant 48 : index
    %swap3A_17 = tpu.vector_load %arg9[%swap3A_16] {strides = array<i32>} : memref<1024xf32, #tpu.memory_space<vmem>>, vector<16xf32>,
    tpu.vector_store %arg9[%swap3A_16], %broadcast_in_dim3A_1 {strides = array<i32>} : memref<1024xf32, #tpu.memory_space<vmem>>, vector<16xf32>,
    %swap3A_18 = arith.constant 64 : index
    %swap3A_19 = tpu.vector_load %arg9[%swap3A_18] {strides = array<i32>} : memref<1024xf32, #tpu.memory_space<vmem>>, vector<16xf32>,
    tpu.vector_store %arg9[%swap3A_18], %broadcast_in_dim3A_1 {strides = array<i32>} : memref<1024xf32, #tpu.memory_space<vmem>>, vector<16xf32>,
    %swap3A_20 = arith.constant 80 : index
    %swap3A_21 = tpu.vector_load %arg9[%swap3A_20] {strides = array<i32>} : memref<1024xf32, #tpu.memory_space<vmem>>, vector<16xf32>,
    tpu.vector_store %arg9[%swap3A_20], %broadcast_in_dim3A_1 {strides = array<i32>} : memref<1024xf32, #tpu.memory_space<vmem>>, vector<16xf32>,
    %swap3A_22 = arith.constant 96 : index
    %swap3A_23 = tpu.vector_load %arg9[%swap3A_22] {strides = array<i32>} : memref<1024xf32, #tpu.memory_space<vmem>>, vector<16xf32>,
    tpu.vector_store %arg9[%swap3A_22], %broadcast_in_dim3A_1 {strides = array<i32>} : memref<1024xf32, #tpu.memory_space<vmem>>, vector<16xf32>,
    %swap3A_24 = arith.constant 112 : index
    %swap3A_25 = tpu.vector_load %arg9[%swap3A_24] {strides = array<i32>} : memref<1024xf32, #tpu.memory_space<vmem>>, vector<16xf32>,
    tpu.vector_store %arg9[%swap3A_24], %broadcast_in_dim3A_1 {strides = array<i32>} : memref<1024xf32, #tpu.memory_space<vmem>>, vector<16xf32>,
    %swap3A_26 = arith.constant 128 : index
    %swap3A_27 = tpu.vector_load %arg9[%swap3A_26] {strides = array<i32>} : memref<1024xf32, #tpu.memory_space<vmem>>, vector<16xf32>,
    tpu.vector_store %arg9[%swap3A_26], %broadcast_in_dim3A_1 {strides = array<i32>} : memref<1024xf32, #tpu.memory_space<vmem>>, vector<16xf32>,
    %swap3A_28 = arith.constant 144 : index
    %swap3A_29 = tpu.vector_load %arg9[%swap3A_28] {strides = array<i32>} : memref<1024xf32, #tpu.memory_space<vmem>>, vector<16xf32>,
    tpu.vector_store %arg9[%swap3A_28], %broadcast_in_dim3A_1 {strides = array<i32>} : memref<1024xf32, #tpu.memory_space<vmem>>, vector<16xf32>,
    %swap3A_30 = arith.constant 160 : index
    %swap3A_31 = tpu.vector_load %arg9[%swap3A_30] {strides = array<i32>} : memref<1024xf32, #tpu.memory_space<vmem>>, vector<16xf32>,
    tpu.vector_store %arg9[%swap3A_30], %broadcast_in_dim3A_1 {strides = array<i32>} : memref<1024xf32, #tpu.memory_space<vmem>>, vector<16xf32>,
    %swap3A_32 = arith.constant 176 : index
    %swap3A_33 = tpu.vector_load %arg9[%swap3A_32] {strides = array<i32>} : memref<1024xf32, #tpu.memory_space<vmem>>, vector<16xf32>,
    tpu.vector_store %arg9[%swap3A_32], %broadcast_in_dim3A_1 {strides = array<i32>} : memref<1024xf32, #tpu.memory_space<vmem>>, vector<16xf32>,
    %swap3A_34 = arith.constant 192 : index
    %swap3A_35 = tpu.vector_load %arg9[%swap3A_34] {strides = array<i32>} : memref<1024xf32, #tpu.memory_space<vmem>>, vector<16xf32>,
    tpu.vector_store %arg9[%swap3A_34], %broadcast_in_dim3A_1 {strides = array<i32>} : memref<1024xf32, #tpu.memory_space<vmem>>, vector<16xf32>,
    %swap3A_36 = arith.constant 208 : index
    %swap3A_37 = tpu.vector_load %arg9[%swap3A_36] {strides = array<i32>} : memref<1024xf32, #tpu.memory_space<vmem>>, vector<16xf32>,
    tpu.vector_store %arg9[%swap3A_36], %broadcast_in_dim3A_1 {strides = array<i32>} : memref<1024xf32, #tpu.memory_space<vmem>>, vector<16xf32>,
    %swap3A_38 = arith.constant 224 : index
    %swap3A_39 = tpu.vector_load %arg9[%swap3A_38] {strides = array<i32>} : memref<1024xf32, #tpu.memory_space<vmem>>, vector<16xf32>,
    tpu.vector_store %arg9[%swap3A_38], %broadcast_in_dim3A_1 {strides = array<i32>} : memref<1024xf32, #tpu.memory_space<vmem>>, vector<16xf32>,
    %swap3A_40 = arith.constant 240 : index
    %swap3A_41 = tpu.vector_load %arg9[%swap3A_40] {strides = array<i32>} : memref<1024xf32, #tpu.memory_space<vmem>>, vector<16xf32>,
    tpu.vector_store %arg9[%swap3A_40], %broadcast_in_dim3A_1 {strides = array<i32>} : memref<1024xf32, #tpu.memory_space<vmem>>, vector<16xf32>,
    %swap3A_42 = arith.constant 256 : index
    %swap3A_43 = tpu.vector_load %arg9[%swap3A_42] {strides = array<i32>} : memref<1024xf32, #tpu.memory_space<vmem>>, vector<16xf32>,
    tpu.vector_store %arg9[%swap3A_42], %broadcast_in_dim3A_1 {strides = array<i32>} : memref<1024xf32, #tpu.memory_space<vmem>>, vector<16xf32>,
    %swap3A_44 = arith.constant 272 : index
    %swap3A_45 = tpu.vector_load %arg9[%swap3A_44] {strides = array<i32>} : memref<1024xf32, #tpu.memory_space<vmem>>, vector<16xf32>,
    tpu.vector_store %arg9[%swap3A_44], %broadcast_in_dim3A_1 {strides = array<i32>} : memref<1024xf32, #tpu.memory_space<vmem>>, vector<16xf32>,
    %swap3A_46 = arith.constant 288 : index
    %swap3A_47 = tpu.vector_load %arg9[%swap3A_46] {strides = array<i32>} : memref<1024xf32, #tpu.memory_space<vmem>>, vector<16xf32>,
    tpu.vector_store %arg9[%swap3A_46], %broadcast_in_dim3A_1 {strides = array<i32>} : memref<1024xf32, #tpu.memory_space<vmem>>, vector<16xf32>,
    %swap3A_48 = arith.constant 304 : index
    %swap3A_49 = tpu.vector_load %arg9[%swap3A_48] {strides = array<i32>} : memref<1024xf32, #tpu.memory_space<vmem>>, vector<16xf32>,
    tpu.vector_store %arg9[%swap3A_48], %broadcast_in_dim3A_1 {strides = array<i32>} : memref<1024xf32, #tpu.memory_space<vmem>>, vector<16xf32>,
    %swap3A_50 = arith.constant 320 : index
    %swap3A_51 = tpu.vector_load %arg9[%swap3A_50] {strides = array<i32>} : memref<1024xf32, #tpu.memory_space<vmem>>, vector<16xf32>,
    tpu.vector_store %arg9[%swap3A_50], %broadcast_in_dim3A_1 {strides = array<i32>} : memref<1024xf32, #tpu.memory_space<vmem>>, vector<16xf32>,
    %swap3A_52 = arith.constant 336 : index
    %swap3A_53 = tpu.vector_load %arg9[%swap3A_52] {strides = array<i32>} : memref<1024xf32, #tpu.memory_space<vmem>>, vector<16xf32>,
    tpu.vector_store %arg9[%swap3A_52], %broadcast_in_dim3A_1 {strides = array<i32>} : memref<1024xf32, #tpu.memory_space<vmem>>, vector<16xf32>,
    %swap3A_54 = arith.constant 352 : index
    %swap3A_55 = tpu.vector_load %arg9[%swap3A_54] {strides = array<i32>} : memref<1024xf32, #tpu.memory_space<vmem>>, vector<16xf32>,
    tpu.vector_store %arg9[%swap3A_54], %broadcast_in_dim3A_1 {strides = array<i32>} : memref<1024xf32, #tpu.memory_space<vmem>>, vector<16xf32>,
    %swap3A_56 = arith.constant 368 : index
    %swap3A_57 = tpu.vector_load %arg9[%swap3A_56] {strides = array<i32>} : memref<1024xf32, #tpu.memory_space<vmem>>, vector<16xf32>,
    tpu.vector_store %arg9[%swap3A_56], %broadcast_in_dim3A_1 {strides = array<i32>} : memref<1024xf32, #tpu.memory_space<vmem>>, vector<16xf32>,
    %swap3A_58 = arith.constant 384 : index
    %swap3A_59 = tpu.vector_load %arg9[%swap3A_58] {strides = array<i32>} : memref<1024xf32, #tpu.memory_space<vmem>>, vector<16xf32>,
    tpu.vector_store %arg9[%swap3A_58], %broadcast_in_dim3A_1 {strides = array<i32>} : memref<1024xf32, #tpu.memory_space<vmem>>, vector<16xf32>,
    %swap3A_60 = arith.constant 400 : index
    %swap3A_61 = tpu.vector_load %arg9[%swap3A_60] {strides = array<i32>} : memref<1024xf32, #tpu.memory_space<vmem>>, vector<16xf32>,
    tpu.vector_store %arg9[%swap3A_60], %broadcast_in_dim3A_1 {strides = array<i32>} : memref<1024xf32, #tpu.memory_space<vmem>>, vector<16xf32>,
    %swap3A_62 = arith.constant 416 : index
    %swap3A_63 = tpu.vector_load %arg9[%swap3A_62] {strides = array<i32>} : memref<1024xf32, #tpu.memory_space<vmem>>, vector<16xf32>,
    tpu.vector_store %arg9[%swap3A_62], %broadcast_in_dim3A_1 {strides = array<i32>} : memref<1024xf32, #tpu.memory_space<vmem>>, vector<16xf32>,
    %swap3A_64 = arith.constant 432 : index
    %swap3A_65 = tpu.vector_load %arg9[%swap3A_64] {strides = array<i32>} : memref<1024xf32, #tpu.memory_space<vmem>>, vector<16xf32>,
    tpu.vector_store %arg9[%swap3A_64], %broadcast_in_dim3A_1 {strides = array<i32>} : memref<1024xf32, #tpu.memory_space<vmem>>, vector<16xf32>,
    %swap3A_66 = arith.constant 448 : index
    %swap3A_67 = tpu.vector_load %arg9[%swap3A_66] {strides = array<i32>} : memref<1024xf32, #tpu.memory_space<vmem>>, vector<16xf32>,
    tpu.vector_store %arg9[%swap3A_66], %broadcast_in_dim3A_1 {strides = array<i32>} : memref<1024xf32, #tpu.memory_space<vmem>>, vector<16xf32>,
    %swap3A_68 = arith.constant 464 : index
    %swap3A_69 = tpu.vector_load %arg9[%swap3A_68] {strides = array<i32>} : memref<1024xf32, #tpu.memory_space<vmem>>, vector<16xf32>,
    tpu.vector_store %arg9[%swap3A_68], %broadcast_in_dim3A_1 {strides = array<i32>} : memref<1024xf32, #tpu.memory_space<vmem>>, vector<16xf32>,
    %swap3A_70 = arith.constant 480 : index
    %swap3A_71 = tpu.vector_load %arg9[%swap3A_70] {strides = array<i32>} : memref<1024xf32, #tpu.memory_space<vmem>>, vector<16xf32>,
    tpu.vector_store %arg9[%swap3A_70], %broadcast_in_dim3A_1 {strides = array<i32>} : memref<1024xf32, #tpu.memory_space<vmem>>, vector<16xf32>,
    %swap3A_72 = arith.constant 496 : index
    %swap3A_73 = tpu.vector_load %arg9[%swap3A_72] {strides = array<i32>} : memref<1024xf32, #tpu.memory_space<vmem>>, vector<16xf32>,
    tpu.vector_store %arg9[%swap3A_72], %broadcast_in_dim3A_1 {strides = array<i32>} : memref<1024xf32, #tpu.memory_space<vmem>>, vector<16xf32>,
    %swap3A_74 = arith.constant 512 : index
    %swap3A_75 = tpu.vector_load %arg9[%swap3A_74] {strides = array<i32>} : memref<1024xf32, #tpu.memory_space<vmem>>, vector<16xf32>,
    tpu.vector_store %arg9[%swap3A_74], %broadcast_in_dim3A_1 {strides = array<i32>} : memref<1024xf32, #tpu.memory_space<vmem>>, vector<16xf32>,
    %swap3A_76 = arith.constant 528 : index
    %swap3A_77 = tpu.vector_load %arg9[%swap3A_76] {strides = array<i32>} : memref<1024xf32, #tpu.memory_space<vmem>>, vector<16xf32>,
    tpu.vector_store %arg9[%swap3A_76], %broadcast_in_dim3A_1 {strides = array<i32>} : memref<1024xf32, #tpu.memory_space<vmem>>, vector<16xf32>,
    %swap3A_78 = arith.constant 544 : index
    %swap3A_79 = tpu.vector_load %arg9[%swap3A_78] {strides = array<i32>} : memref<1024xf32, #tpu.memory_space<vmem>>, vector<16xf32>,
    tpu.vector_store %arg9[%swap3A_78], %broadcast_in_dim3A_1 {strides = array<i32>} : memref<1024xf32, #tpu.memory_space<vmem>>, vector<16xf32>,
    %swap3A_80 = arith.constant 560 : index
    %swap3A_81 = tpu.vector_load %arg9[%swap3A_80] {strides = array<i32>} : memref<1024xf32, #tpu.memory_space<vmem>>, vector<16xf32>,
    tpu.vector_store %arg9[%swap3A_80], %broadcast_in_dim3A_1 {strides = array<i32>} : memref<1024xf32, #tpu.memory_space<vmem>>, vector<16xf32>,
    %swap3A_82 = arith.constant 576 : index
    %swap3A_83 = tpu.vector_load %arg9[%swap3A_82] {strides = array<i32>} : memref<1024xf32, #tpu.memory_space<vmem>>, vector<16xf32>,
    tpu.vector_store %arg9[%swap3A_82], %broadcast_in_dim3A_1 {strides = array<i32>} : memref<1024xf32, #tpu.memory_space<vmem>>, vector<16xf32>,
    %swap3A_84 = arith.constant 592 : index
    %swap3A_85 = tpu.vector_load %arg9[%swap3A_84] {strides = array<i32>} : memref<1024xf32, #tpu.memory_space<vmem>>, vector<16xf32>,
    tpu.vector_store %arg9[%swap3A_84], %broadcast_in_dim3A_1 {strides = array<i32>} : memref<1024xf32, #tpu.memory_space<vmem>>, vector<16xf32>,
    %swap3A_86 = arith.constant 608 : index
    %swap3A_87 = tpu.vector_load %arg9[%swap3A_86] {strides = array<i32>} : memref<1024xf32, #tpu.memory_space<vmem>>, vector<16xf32>,
    tpu.vector_store %arg9[%swap3A_86], %broadcast_in_dim3A_1 {strides = array<i32>} : memref<1024xf32, #tpu.memory_space<vmem>>, vector<16xf32>,
    %swap3A_88 = arith.constant 624 : index
    %swap3A_89 = tpu.vector_load %arg9[%swap3A_88] {strides = array<i32>} : memref<1024xf32, #tpu.memory_space<vmem>>, vector<16xf32>,
    tpu.vector_store %arg9[%swap3A_88], %broadcast_in_dim3A_1 {strides = array<i32>} : memref<1024xf32, #tpu.memory_space<vmem>>, vector<16xf32>,
    %swap3A_90 = arith.constant 640 : index
    %swap3A_91 = tpu.vector_load %arg9[%swap3A_90] {strides = array<i32>} : memref<1024xf32, #tpu.memory_space<vmem>>, vector<16xf32>,
    tpu.vector_store %arg9[%swap3A_90], %broadcast_in_dim3A_1 {strides = array<i32>} : memref<1024xf32, #tpu.memory_space<vmem>>, vector<16xf32>,
    %swap3A_92 = arith.constant 656 : index
    %swap3A_93 = tpu.vector_load %arg9[%swap3A_92] {strides = array<i32>} : memref<1024xf32, #tpu.memory_space<vmem>>, vector<16xf32>,
    tpu.vector_store %arg9[%swap3A_92], %broadcast_in_dim3A_1 {strides = array<i32>} : memref<1024xf32, #tpu.memory_space<vmem>>, vector<16xf32>,
    %swap3A_94 = arith.constant 672 : index
    %swap3A_95 = tpu.vector_load %arg9[%swap3A_94] {strides = array<i32>} : memref<1024xf32, #tpu.memory_space<vmem>>, vector<16xf32>,
    tpu.vector_store %arg9[%swap3A_94], %broadcast_in_dim3A_1 {strides = array<i32>} : memref<1024xf32, #tpu.memory_space<vmem>>, vector<16xf32>,
    %swap3A_96 = arith.constant 688 : index
    %swap3A_97 = tpu.vector_load %arg9[%swap3A_96] {strides = array<i32>} : memref<1024xf32, #tpu.memory_space<vmem>>, vector<16xf32>,
    tpu.vector_store %arg9[%swap3A_96], %broadcast_in_dim3A_1 {strides = array<i32>} : memref<1024xf32, #tpu.memory_space<vmem>>, vector<16xf32>,
    %swap3A_98 = arith.constant 704 : index
    %swap3A_99 = tpu.vector_load %arg9[%swap3A_98] {strides = array<i32>} : memref<1024xf32, #tpu.memory_space<vmem>>, vector<16xf32>,
    tpu.vector_store %arg9[%swap3A_98], %broadcast_in_dim3A_1 {strides = array<i32>} : memref<1024xf32, #tpu.memory_space<vmem>>, vector<16xf32>,
    %swap3A_100 = arith.constant 720 : index
    %swap3A_101 = tpu.vector_load %arg9[%swap3A_100] {strides = array<i32>} : memref<1024xf32, #tpu.memory_space<vmem>>, vector<16xf32>,
    tpu.vector_store %arg9[%swap3A_100], %broadcast_in_dim3A_1 {strides = array<i32>} : memref<1024xf32, #tpu.memory_space<vmem>>, vector<16xf32>,
    %swap3A_102 = arith.constant 736 : index
    %swap3A_103 = tpu.vector_load %arg9[%swap3A_102] {strides = array<i32>} : memref<1024xf32, #tpu.memory_space<vmem>>, vector<16xf32>,
    tpu.vector_store %arg9[%swap3A_102], %broadcast_in_dim3A_1 {strides = array<i32>} : memref<1024xf32, #tpu.memory_space<vmem>>, vector<16xf32>,
    %swap3A_104 = arith.constant 752 : index
    %swap3A_105 = tpu.vector_load %arg9[%swap3A_104] {strides = array<i32>} : memref<1024xf32, #tpu.memory_space<vmem>>, vector<16xf32>,
    tpu.vector_store %arg9[%swap3A_104], %broadcast_in_dim3A_1 {strides = array<i32>} : memref<1024xf32, #tpu.memory_space<vmem>>, vector<16xf32>,
    %swap3A_106 = arith.constant 768 : index
    %swap3A_107 = tpu.vector_load %arg9[%swap3A_106] {strides = array<i32>} : memref<1024xf32, #tpu.memory_space<vmem>>, vector<16xf32>,
    tpu.vector_store %arg9[%swap3A_106], %broadcast_in_dim3A_1 {strides = array<i32>} : memref<1024xf32, #tpu.memory_space<vmem>>, vector<16xf32>,
    %swap3A_108 = arith.constant 784 : index
    %swap3A_109 = tpu.vector_load %arg9[%swap3A_108] {strides = array<i32>} : memref<1024xf32, #tpu.memory_space<vmem>>, vector<16xf32>,
    tpu.vector_store %arg9[%swap3A_108], %broadcast_in_dim3A_1 {strides = array<i32>} : memref<1024xf32, #tpu.memory_space<vmem>>, vector<16xf32>,
    %swap3A_110 = arith.constant 800 : index
    %swap3A_111 = tpu.vector_load %arg9[%swap3A_110] {strides = array<i32>} : memref<1024xf32, #tpu.memory_space<vmem>>, vector<16xf32>,
    tpu.vector_store %arg9[%swap3A_110], %broadcast_in_dim3A_1 {strides = array<i32>} : memref<1024xf32, #tpu.memory_space<vmem>>, vector<16xf32>,
    %swap3A_112 = arith.constant 816 : index
    %swap3A_113 = tpu.vector_load %arg9[%swap3A_112] {strides = array<i32>} : memref<1024xf32, #tpu.memory_space<vmem>>, vector<16xf32>,
    tpu.vector_store %arg9[%swap3A_112], %broadcast_in_dim3A_1 {strides = array<i32>} : memref<1024xf32, #tpu.memory_space<vmem>>, vector<16xf32>,
    %swap3A_114 = arith.constant 832 : index
    %swap3A_115 = tpu.vector_load %arg9[%swap3A_114] {strides = array<i32>} : memref<1024xf32, #tpu.memory_space<vmem>>, vector<16xf32>,
    tpu.vector_store %arg9[%swap3A_114], %broadcast_in_dim3A_1 {strides = array<i32>} : memref<1024xf32, #tpu.memory_space<vmem>>, vector<16xf32>,
    %swap3A_116 = arith.constant 848 : index
    %swap3A_117 = tpu.vector_load %arg9[%swap3A_116] {strides = array<i32>} : memref<1024xf32, #tpu.memory_space<vmem>>, vector<16xf32>,
    tpu.vector_store %arg9[%swap3A_116], %broadcast_in_dim3A_1 {strides = array<i32>} : memref<1024xf32, #tpu.memory_space<vmem>>, vector<16xf32>,
    %swap3A_118 = arith.constant 864 : index
    %swap3A_119 = tpu.vector_load %arg9[%swap3A_118] {strides = array<i32>} : memref<1024xf32, #tpu.memory_space<vmem>>, vector<16xf32>,
    tpu.vector_store %arg9[%swap3A_118], %broadcast_in_dim3A_1 {strides = array<i32>} : memref<1024xf32, #tpu.memory_space<vmem>>, vector<16xf32>,
    %swap3A_120 = arith.constant 880 : index
    %swap3A_121 = tpu.vector_load %arg9[%swap3A_120] {strides = array<i32>} : memref<1024xf32, #tpu.memory_space<vmem>>, vector<16xf32>,
    tpu.vector_store %arg9[%swap3A_120], %broadcast_in_dim3A_1 {strides = array<i32>} : memref<1024xf32, #tpu.memory_space<vmem>>, vector<16xf32>,
    %swap3A_122 = arith.constant 896 : index
    %swap3A_123 = tpu.vector_load %arg9[%swap3A_122] {strides = array<i32>} : memref<1024xf32, #tpu.memory_space<vmem>>, vector<16xf32>,
    tpu.vector_store %arg9[%swap3A_122], %broadcast_in_dim3A_1 {strides = array<i32>} : memref<1024xf32, #tpu.memory_space<vmem>>, vector<16xf32>,
    %swap3A_124 = arith.constant 912 : index
    %swap3A_125 = tpu.vector_load %arg9[%swap3A_124] {strides = array<i32>} : memref<1024xf32, #tpu.memory_space<vmem>>, vector<16xf32>,
    tpu.vector_store %arg9[%swap3A_124], %broadcast_in_dim3A_1 {strides = array<i32>} : memref<1024xf32, #tpu.memory_space<vmem>>, vector<16xf32>,
    %swap3A_126 = arith.constant 928 : index
    %swap3A_127 = tpu.vector_load %arg9[%swap3A_126] {strides = array<i32>} : memref<1024xf32, #tpu.memory_space<vmem>>, vector<16xf32>,
    tpu.vector_store %arg9[%swap3A_126], %broadcast_in_dim3A_1 {strides = array<i32>} : memref<1024xf32, #tpu.memory_space<vmem>>, vector<16xf32>,
    %swap3A_128 = arith.constant 944 : index
    %swap3A_129 = tpu.vector_load %arg9[%swap3A_128] {strides = array<i32>} : memref<1024xf32, #tpu.memory_space<vmem>>, vector<16xf32>,
    tpu.vector_store %arg9[%swap3A_128], %broadcast_in_dim3A_1 {strides = array<i32>} : memref<1024xf32, #tpu.memory_space<vmem>>, vector<16xf32>,
    %swap3A_130 = arith.constant 960 : index
    %swap3A_131 = tpu.vector_load %arg9[%swap3A_130] {strides = array<i32>} : memref<1024xf32, #tpu.memory_space<vmem>>, vector<16xf32>,
    tpu.vector_store %arg9[%swap3A_130], %broadcast_in_dim3A_1 {strides = array<i32>} : memref<1024xf32, #tpu.memory_space<vmem>>, vector<16xf32>,
    %swap3A_132 = arith.constant 976 : index
    %swap3A_133 = tpu.vector_load %arg9[%swap3A_132] {strides = array<i32>} : memref<1024xf32, #tpu.memory_space<vmem>>, vector<16xf32>,
    tpu.vector_store %arg9[%swap3A_132], %broadcast_in_dim3A_1 {strides = array<i32>} : memref<1024xf32, #tpu.memory_space<vmem>>, vector<16xf32>,
    %swap3A_134 = arith.constant 992 : index
    %swap3A_135 = tpu.vector_load %arg9[%swap3A_134] {strides = array<i32>} : memref<1024xf32, #tpu.memory_space<vmem>>, vector<16xf32>,
    tpu.vector_store %arg9[%swap3A_134], %broadcast_in_dim3A_1 {strides = array<i32>} : memref<1024xf32, #tpu.memory_space<vmem>>, vector<16xf32>,
    %swap3A_136 = arith.constant 1008 : index
    %swap3A_137 = tpu.vector_load %arg9[%swap3A_136] {strides = array<i32>} : memref<1024xf32, #tpu.memory_space<vmem>>, vector<16xf32>,
    tpu.vector_store %arg9[%swap3A_136], %broadcast_in_dim3A_1 {strides = array<i32>} : memref<1024xf32, #tpu.memory_space<vmem>>, vector<16xf32>,
    %mul3A_138 = arith.constant 64 : i32
    %mul3A_139 = arith.muli %arg1, %mul3A_138 : i32
    "tpu.region"() ({
      %run_scoped3A = tpu.sem_alloc : memref<!tpu.dma_semaphore, #tpu.memory_space<semaphore_mem>>
      %dma_start3A_183 = arith.constant 0 : i32
      %dma_start3A_184 = tpu.memref_slice %arg10[%mul3A_139, %dma_start3A_183] : memref<1024x128xf32, #tpu.memory_space<vmem_shared>> -> memref<64x128xf32, #tpu.memory_space<vmem_shared>>
      %dma_start3A_185 = arith.constant 0 : i32
      %dma_start3A_186 = tpu.memref_slice %arg10[%mul3A_139, %dma_start3A_185] : memref<1024x128xf32, #tpu.memory_space<vmem_shared>> -> memref<64x128xf32, #tpu.memory_space<vmem_shared>>
      tpu.enqueue_dma source(%arg8 : memref<64x128xf32, #tpu.memory_space<vmem>>) target(%dma_start3A_186 : memref<64x128xf32, #tpu.memory_space<vmem_shared>>) target_semaphore(%run_scoped3A : memref<!tpu.dma_semaphore, #tpu.memory_space<semaphore_mem>>)
      %dma_wait3A = arith.constant 0 : i32
      %dma_wait3A_187 = tpu.memref_slice %arg10[%mul3A_139, %dma_wait3A] : memref<1024x128xf32, #tpu.memory_space<vmem_shared>> -> memref<64x128xf32, #tpu.memory_space<vmem_shared>>
      %dma_wait3A_188 = arith.constant 0 : i32
      %dma_wait3A_189 = tpu.memref_slice %arg10[%mul3A_139, %dma_wait3A_188] : memref<1024x128xf32, #tpu.memory_space<vmem_shared>> -> memref<64x128xf32, #tpu.memory_space<vmem_shared>>
      tpu.wait_dma2 semaphore(%run_scoped3A : memref<!tpu.dma_semaphore, #tpu.memory_space<semaphore_mem>>) src(%arg8 : memref<64x128xf32, #tpu.memory_space<vmem>>) dst(%dma_wait3A_189 : memref<64x128xf32, #tpu.memory_space<vmem_shared>>)
      tpu.yield
    }) : () -> ()
    %barrier3A = arith.constant 0 : index
    tpu.barrier barrier_id(%barrier3A)
    %mul3A_140 = arith.constant 256 : i32
    %mul3A_141 = arith.muli %add3A, %mul3A_140 : i32
    %dma_start3A = arith.constant 0 : i32
    %dma_start3A_142 = arith.constant 0 : i32
    %dma_start3A_143 = arith.constant 0 : i32
    %dma_start3A_144 = tpu.memref_slice %arg6[%dma_start3A, %dma_start3A_142, %dma_start3A_143] : memref<2x256x128xf32, #tpu.memory_space<vmem>> -> memref<1x256x128xf32, #tpu.memory_space<vmem>>
    %dma_start3A_145 = tpu.memref_squeeze %dma_start3A_144 : memref<1x256x128xf32, #tpu.memory_space<vmem>> -> memref<256x128xf32, #tpu.memory_space<vmem>>
    %dma_start3A_146 = arith.constant 0 : i32
    %dma_start3A_147 = tpu.memref_slice %arg2[%mul3A_141, %dma_start3A_146] : memref<320000x128xf32, #tpu.memory_space<hbm>> -> memref<256x128xf32, #tpu.memory_space<hbm>>
    %dma_start3A_148 = arith.constant 0 : i32
    %dma_start3A_149 = arith.constant 0 : i32
    %dma_start3A_150 = tpu.memref_slice %arg6[%dma_start3A, %dma_start3A_148, %dma_start3A_149] : memref<2x256x128xf32, #tpu.memory_space<vmem>> -> memref<1x256x128xf32, #tpu.memory_space<vmem>>
    %dma_start3A_151 = tpu.memref_squeeze %dma_start3A_150 : memref<1x256x128xf32, #tpu.memory_space<vmem>> -> memref<256x128xf32, #tpu.memory_space<vmem>>
    %dma_start3A_152 = arith.constant 0 : i32
    %dma_start3A_153 = tpu.memref_slice %arg2[%mul3A_141, %dma_start3A_152] : memref<320000x128xf32, #tpu.memory_space<hbm>> -> memref<256x128xf32, #tpu.memory_space<hbm>>
    tpu.enqueue_dma source(%dma_start3A_153 : memref<256x128xf32, #tpu.memory_space<hbm>>) target(%dma_start3A_151 : memref<256x128xf32, #tpu.memory_space<vmem>>) target_semaphore(%arg11 : memref<!tpu.dma_semaphore, #tpu.memory_space<semaphore_mem>>)
    %dma_start3A_154 = arith.constant 0 : i32
    %dma_start3A_155 = arith.constant 0 : i32
    %dma_start3A_156 = arith.constant 0 : i32
    %dma_start3A_157 = tpu.memref_slice %arg7[%dma_start3A_154, %dma_start3A_155, %dma_start3A_156] : memref<2x2x128xi32, #tpu.memory_space<vmem>> -> memref<1x2x128xi32, #tpu.memory_space<vmem>>
    %dma_start3A_158 = tpu.memref_squeeze %dma_start3A_157 : memref<1x2x128xi32, #tpu.memory_space<vmem>> -> memref<2x128xi32, #tpu.memory_space<vmem>>
    %dma_start3A_159 = arith.constant 0 : i32
    %dma_start3A_160 = arith.constant 0 : i32
    %dma_start3A_161 = tpu.memref_slice %arg3[%add3A, %dma_start3A_159, %dma_start3A_160] : memref<1250x2x128xi32, #tpu.memory_space<hbm>> -> memref<1x2x128xi32, #tpu.memory_space<hbm>>
    %dma_start3A_162 = tpu.memref_squeeze %dma_start3A_161 : memref<1x2x128xi32, #tpu.memory_space<hbm>> -> memref<2x128xi32, #tpu.memory_space<hbm>>
    %dma_start3A_163 = arith.constant 0 : i32
    %dma_start3A_164 = arith.constant 0 : i32
    %dma_start3A_165 = tpu.memref_slice %arg7[%dma_start3A_154, %dma_start3A_163, %dma_start3A_164] : memref<2x2x128xi32, #tpu.memory_space<vmem>> -> memref<1x2x128xi32, #tpu.memory_space<vmem>>
    %dma_start3A_166 = tpu.memref_squeeze %dma_start3A_165 : memref<1x2x128xi32, #tpu.memory_space<vmem>> -> memref<2x128xi32, #tpu.memory_space<vmem>>
    %dma_start3A_167 = arith.constant 0 : i32
    %dma_start3A_168 = arith.constant 0 : i32
    %dma_start3A_169 = tpu.memref_slice %arg3[%add3A, %dma_start3A_167, %dma_start3A_168] : memref<1250x2x128xi32, #tpu.memory_space<hbm>> -> memref<1x2x128xi32, #tpu.memory_space<hbm>>
    %dma_start3A_170 = tpu.memref_squeeze %dma_start3A_169 : memref<1x2x128xi32, #tpu.memory_space<hbm>> -> memref<2x128xi32, #tpu.memory_space<hbm>>
    tpu.enqueue_dma source(%dma_start3A_170 : memref<2x128xi32, #tpu.memory_space<hbm>>) target(%dma_start3A_166 : memref<2x128xi32, #tpu.memory_space<vmem>>) target_semaphore(%arg11 : memref<!tpu.dma_semaphore, #tpu.memory_space<semaphore_mem>>)
    %scan3A_171 = arith.constant 0 : i32
    %scan3A_172 = arith.constant 0 : i32
    %scan3A_173 = arith.constant 20 : i32
    %scan3A_174 = arith.addi %scan3A_172, %scan3A_173 : i32
    %scan3A_175 = arith.constant 1 : i32
    %scan3A_176 = scf.for %scan3A_183 = %scan3A_172 to %scan3A_174 step %scan3A_175 iter_args(%scan3A_184 = %scan3A_171) -> (i32)  : i32 {
      %mul3A_185 = arith.constant 2 : i32
      %mul3A_186 = arith.muli %scan3A_183, %mul3A_185 : i32
      %add3A_187 = arith.constant 0 : i32
      %add3A_188 = arith.addi %mul3A_186, %add3A_187 : i32
      %mul3A_189 = arith.constant 32 : i32
      %mul3A_190 = arith.muli %add3A_188, %mul3A_189 : i32
      %add3A_191 = arith.addi %add3A, %mul3A_190 : i32
      %lt3A = arith.constant 1250 : i32
      %lt3A_192 = arith.cmpi slt, %add3A_191, %lt3A : i32
      %convert_element_type3A = arith.extui %lt3A_192 : i1 to i32
      %cond3A = arith.constant 0 : i32
      %cond3A_193 = arith.cmpi ne, %convert_element_type3A, %cond3A : i32
      scf.if %cond3A_193 {
        %add3A_207 = arith.constant 32 : i32
        %add3A_208 = arith.addi %add3A_191, %add3A_207 : i32
        %lt3A_209 = arith.constant 1250 : i32
        %lt3A_210 = arith.cmpi slt, %add3A_208, %lt3A_209 : i32
        %convert_element_type3A_211 = arith.extui %lt3A_210 : i1 to i32
        %cond3A_212 = arith.constant 0 : i32
        %cond3A_213 = arith.cmpi ne, %convert_element_type3A_211, %cond3A_212 : i32
        scf.if %cond3A_213 {
          %mul3A_341 = arith.constant 256 : i32
          %mul3A_342 = arith.muli %add3A_208, %mul3A_341 : i32
          %dma_start3A_343 = arith.constant 1 : i32
          %dma_start3A_344 = arith.constant 0 : i32
          %dma_start3A_345 = arith.constant 0 : i32
          %dma_start3A_346 = tpu.memref_slice %arg6[%dma_start3A_343, %dma_start3A_344, %dma_start3A_345] : memref<2x256x128xf32, #tpu.memory_space<vmem>> -> memref<1x256x128xf32, #tpu.memory_space<vmem>>
          %dma_start3A_347 = tpu.memref_squeeze %dma_start3A_346 : memref<1x256x128xf32, #tpu.memory_space<vmem>> -> memref<256x128xf32, #tpu.memory_space<vmem>>
          %dma_start3A_348 = arith.constant 0 : i32
          %dma_start3A_349 = tpu.memref_slice %arg2[%mul3A_342, %dma_start3A_348] : memref<320000x128xf32, #tpu.memory_space<hbm>> -> memref<256x128xf32, #tpu.memory_space<hbm>>
          %dma_start3A_350 = arith.constant 0 : i32
          %dma_start3A_351 = arith.constant 0 : i32
          %dma_start3A_352 = tpu.memref_slice %arg6[%dma_start3A_343, %dma_start3A_350, %dma_start3A_351] : memref<2x256x128xf32, #tpu.memory_space<vmem>> -> memref<1x256x128xf32, #tpu.memory_space<vmem>>
          %dma_start3A_353 = tpu.memref_squeeze %dma_start3A_352 : memref<1x256x128xf32, #tpu.memory_space<vmem>> -> memref<256x128xf32, #tpu.memory_space<vmem>>
          %dma_start3A_354 = arith.constant 0 : i32
          %dma_start3A_355 = tpu.memref_slice %arg2[%mul3A_342, %dma_start3A_354] : memref<320000x128xf32, #tpu.memory_space<hbm>> -> memref<256x128xf32, #tpu.memory_space<hbm>>
          tpu.enqueue_dma source(%dma_start3A_355 : memref<256x128xf32, #tpu.memory_space<hbm>>) target(%dma_start3A_353 : memref<256x128xf32, #tpu.memory_space<vmem>>) target_semaphore(%arg12 : memref<!tpu.dma_semaphore, #tpu.memory_space<semaphore_mem>>)
          %dma_start3A_356 = arith.constant 1 : i32
          %dma_start3A_357 = arith.constant 0 : i32
          %dma_start3A_358 = arith.constant 0 : i32
          %dma_start3A_359 = tpu.memref_slice %arg7[%dma_start3A_356, %dma_start3A_357, %dma_start3A_358] : memref<2x2x128xi32, #tpu.memory_space<vmem>> -> memref<1x2x128xi32, #tpu.memory_space<vmem>>
          %dma_start3A_360 = tpu.memref_squeeze %dma_start3A_359 : memref<1x2x128xi32, #tpu.memory_space<vmem>> -> memref<2x128xi32, #tpu.memory_space<vmem>>
          %dma_start3A_361 = arith.constant 0 : i32
          %dma_start3A_362 = arith.constant 0 : i32
          %dma_start3A_363 = tpu.memref_slice %arg3[%add3A_208, %dma_start3A_361, %dma_start3A_362] : memref<1250x2x128xi32, #tpu.memory_space<hbm>> -> memref<1x2x128xi32, #tpu.memory_space<hbm>>
          %dma_start3A_364 = tpu.memref_squeeze %dma_start3A_363 : memref<1x2x128xi32, #tpu.memory_space<hbm>> -> memref<2x128xi32, #tpu.memory_space<hbm>>
          %dma_start3A_365 = arith.constant 0 : i32
          %dma_start3A_366 = arith.constant 0 : i32
          %dma_start3A_367 = tpu.memref_slice %arg7[%dma_start3A_356, %dma_start3A_365, %dma_start3A_366] : memref<2x2x128xi32, #tpu.memory_space<vmem>> -> memref<1x2x128xi32, #tpu.memory_space<vmem>>
          %dma_start3A_368 = tpu.memref_squeeze %dma_start3A_367 : memref<1x2x128xi32, #tpu.memory_space<vmem>> -> memref<2x128xi32, #tpu.memory_space<vmem>>
          %dma_start3A_369 = arith.constant 0 : i32
          %dma_start3A_370 = arith.constant 0 : i32
          %dma_start3A_371 = tpu.memref_slice %arg3[%add3A_208, %dma_start3A_369, %dma_start3A_370] : memref<1250x2x128xi32, #tpu.memory_space<hbm>> -> memref<1x2x128xi32, #tpu.memory_space<hbm>>
          %dma_start3A_372 = tpu.memref_squeeze %dma_start3A_371 : memref<1x2x128xi32, #tpu.memory_space<hbm>> -> memref<2x128xi32, #tpu.memory_space<hbm>>
          tpu.enqueue_dma source(%dma_start3A_372 : memref<2x128xi32, #tpu.memory_space<hbm>>) target(%dma_start3A_368 : memref<2x128xi32, #tpu.memory_space<vmem>>) target_semaphore(%arg12 : memref<!tpu.dma_semaphore, #tpu.memory_space<semaphore_mem>>)
        } else {
        }
        %dma_wait3A = arith.constant 0 : i32
        %dma_wait3A_214 = arith.constant 0 : i32
        %dma_wait3A_215 = arith.constant 0 : i32
        %dma_wait3A_216 = tpu.memref_slice %arg6[%dma_wait3A, %dma_wait3A_214, %dma_wait3A_215] : memref<2x256x128xf32, #tpu.memory_space<vmem>> -> memref<1x256x128xf32, #tpu.memory_space<vmem>>
        %dma_wait3A_217 = tpu.memref_squeeze %dma_wait3A_216 : memref<1x256x128xf32, #tpu.memory_space<vmem>> -> memref<256x128xf32, #tpu.memory_space<vmem>>
        %dma_wait3A_218 = arith.constant 0 : i32
        %dma_wait3A_219 = arith.constant 0 : i32
        %dma_wait3A_220 = tpu.memref_slice %arg2[%dma_wait3A_218, %dma_wait3A_219] : memref<320000x128xf32, #tpu.memory_space<hbm>> -> memref<256x128xf32, #tpu.memory_space<hbm>>
        %dma_wait3A_221 = arith.constant 0 : i32
        %dma_wait3A_222 = arith.constant 0 : i32
        %dma_wait3A_223 = tpu.memref_slice %arg6[%dma_wait3A, %dma_wait3A_221, %dma_wait3A_222] : memref<2x256x128xf32, #tpu.memory_space<vmem>> -> memref<1x256x128xf32, #tpu.memory_space<vmem>>
        %dma_wait3A_224 = tpu.memref_squeeze %dma_wait3A_223 : memref<1x256x128xf32, #tpu.memory_space<vmem>> -> memref<256x128xf32, #tpu.memory_space<vmem>>
        %dma_wait3A_225 = arith.constant 0 : i32
        %dma_wait3A_226 = arith.constant 0 : i32
        %dma_wait3A_227 = tpu.memref_slice %arg2[%dma_wait3A_225, %dma_wait3A_226] : memref<320000x128xf32, #tpu.memory_space<hbm>> -> memref<256x128xf32, #tpu.memory_space<hbm>>
        tpu.wait_dma2 semaphore(%arg11 : memref<!tpu.dma_semaphore, #tpu.memory_space<semaphore_mem>>) src(%dma_wait3A_227 : memref<256x128xf32, #tpu.memory_space<hbm>>) dst(%dma_wait3A_224 : memref<256x128xf32, #tpu.memory_space<vmem>>)
        %dma_wait3A_228 = arith.constant 0 : i32
        %dma_wait3A_229 = arith.constant 0 : i32
        %dma_wait3A_230 = arith.constant 0 : i32
        %dma_wait3A_231 = arith.constant 0 : i32
        %dma_wait3A_232 = tpu.memref_slice %arg7[%dma_wait3A_229, %dma_wait3A_230, %dma_wait3A_231] : memref<2x2x128xi32, #tpu.memory_space<vmem>> -> memref<1x2x128xi32, #tpu.memory_space<vmem>>
        %dma_wait3A_233 = tpu.memref_squeeze %dma_wait3A_232 : memref<1x2x128xi32, #tpu.memory_space<vmem>> -> memref<2x128xi32, #tpu.memory_space<vmem>>
        %dma_wait3A_234 = arith.constant 0 : i32
        %dma_wait3A_235 = arith.constant 0 : i32
        %dma_wait3A_236 = tpu.memref_slice %arg3[%dma_wait3A_228, %dma_wait3A_234, %dma_wait3A_235] : memref<1250x2x128xi32, #tpu.memory_space<hbm>> -> memref<1x2x128xi32, #tpu.memory_space<hbm>>
        %dma_wait3A_237 = tpu.memref_squeeze %dma_wait3A_236 : memref<1x2x128xi32, #tpu.memory_space<hbm>> -> memref<2x128xi32, #tpu.memory_space<hbm>>
        %dma_wait3A_238 = arith.constant 0 : i32
        %dma_wait3A_239 = arith.constant 0 : i32
        %dma_wait3A_240 = tpu.memref_slice %arg7[%dma_wait3A_229, %dma_wait3A_238, %dma_wait3A_239] : memref<2x2x128xi32, #tpu.memory_space<vmem>> -> memref<1x2x128xi32, #tpu.memory_space<vmem>>
        %dma_wait3A_241 = tpu.memref_squeeze %dma_wait3A_240 : memref<1x2x128xi32, #tpu.memory_space<vmem>> -> memref<2x128xi32, #tpu.memory_space<vmem>>
        %dma_wait3A_242 = arith.constant 0 : i32
        %dma_wait3A_243 = arith.constant 0 : i32
        %dma_wait3A_244 = tpu.memref_slice %arg3[%dma_wait3A_228, %dma_wait3A_242, %dma_wait3A_243] : memref<1250x2x128xi32, #tpu.memory_space<hbm>> -> memref<1x2x128xi32, #tpu.memory_space<hbm>>
        %dma_wait3A_245 = tpu.memref_squeeze %dma_wait3A_244 : memref<1x2x128xi32, #tpu.memory_space<hbm>> -> memref<2x128xi32, #tpu.memory_space<hbm>>
        tpu.wait_dma2 semaphore(%arg11 : memref<!tpu.dma_semaphore, #tpu.memory_space<semaphore_mem>>) src(%dma_wait3A_245 : memref<2x128xi32, #tpu.memory_space<hbm>>) dst(%dma_wait3A_241 : memref<2x128xi32, #tpu.memory_space<vmem>>)
        %get3A = arith.constant 0 : i32
        %get3A_246 = arith.constant 0 : i32
        %get3A_247 = arith.index_cast %get3A : i32 to index
        %get3A_248 = arith.index_cast %get3A_246 : i32 to index
        %get3A_249 = arith.constant 0 : index
        %get3A_250 = tpu.vector_load %arg7[%get3A_247, %get3A_248, %get3A_249] {strides = array<i32>} : memref<2x2x128xi32, #tpu.memory_space<vmem>>, vector<16xi32>,
        tpu.vector_store_idx %arg9[%get3A_250], %add3A_4 {add = true} : memref<1024xf32, #tpu.memory_space<vmem>>[vector<16xi32>], vector<16xf32>,
        %get3A_251 = arith.constant 0 : i32
        %get3A_252 = arith.constant 0 : i32
        %get3A_253 = arith.index_cast %get3A_251 : i32 to index
        %get3A_254 = arith.index_cast %get3A_252 : i32 to index
        %get3A_255 = arith.constant 16 : index
        %get3A_256 = tpu.vector_load %arg7[%get3A_253, %get3A_254, %get3A_255] {strides = array<i32>} : memref<2x2x128xi32, #tpu.memory_space<vmem>>, vector<16xi32>,
        tpu.vector_store_idx %arg9[%get3A_256], %add3A_4 {add = true} : memref<1024xf32, #tpu.memory_space<vmem>>[vector<16xi32>], vector<16xf32>,
        %get3A_257 = arith.constant 0 : i32
        %get3A_258 = arith.constant 0 : i32
        %get3A_259 = arith.index_cast %get3A_257 : i32 to index
        %get3A_260 = arith.index_cast %get3A_258 : i32 to index
        %get3A_261 = arith.constant 32 : index
        %get3A_262 = tpu.vector_load %arg7[%get3A_259, %get3A_260, %get3A_261] {strides = array<i32>} : memref<2x2x128xi32, #tpu.memory_space<vmem>>, vector<16xi32>,
        tpu.vector_store_idx %arg9[%get3A_262], %add3A_4 {add = true} : memref<1024xf32, #tpu.memory_space<vmem>>[vector<16xi32>], vector<16xf32>,
        %get3A_263 = arith.constant 0 : i32
        %get3A_264 = arith.constant 0 : i32
        %get3A_265 = arith.index_cast %get3A_263 : i32 to index
        %get3A_266 = arith.index_cast %get3A_264 : i32 to index
        %get3A_267 = arith.constant 48 : index
        %get3A_268 = tpu.vector_load %arg7[%get3A_265, %get3A_266, %get3A_267] {strides = array<i32>} : memref<2x2x128xi32, #tpu.memory_space<vmem>>, vector<16xi32>,
        tpu.vector_store_idx %arg9[%get3A_268], %add3A_4 {add = true} : memref<1024xf32, #tpu.memory_space<vmem>>[vector<16xi32>], vector<16xf32>,
        %get3A_269 = arith.constant 0 : i32
        %get3A_270 = arith.constant 0 : i32
        %get3A_271 = arith.index_cast %get3A_269 : i32 to index
        %get3A_272 = arith.index_cast %get3A_270 : i32 to index
        %get3A_273 = arith.constant 64 : index
        %get3A_274 = tpu.vector_load %arg7[%get3A_271, %get3A_272, %get3A_273] {strides = array<i32>} : memref<2x2x128xi32, #tpu.memory_space<vmem>>, vector<16xi32>,
        tpu.vector_store_idx %arg9[%get3A_274], %add3A_4 {add = true} : memref<1024xf32, #tpu.memory_space<vmem>>[vector<16xi32>], vector<16xf32>,
        %get3A_275 = arith.constant 0 : i32
        %get3A_276 = arith.constant 0 : i32
        %get3A_277 = arith.index_cast %get3A_275 : i32 to index
        %get3A_278 = arith.index_cast %get3A_276 : i32 to index
        %get3A_279 = arith.constant 80 : index
        %get3A_280 = tpu.vector_load %arg7[%get3A_277, %get3A_278, %get3A_279] {strides = array<i32>} : memref<2x2x128xi32, #tpu.memory_space<vmem>>, vector<16xi32>,
        tpu.vector_store_idx %arg9[%get3A_280], %add3A_4 {add = true} : memref<1024xf32, #tpu.memory_space<vmem>>[vector<16xi32>], vector<16xf32>,
        %get3A_281 = arith.constant 0 : i32
        %get3A_282 = arith.constant 0 : i32
        %get3A_283 = arith.index_cast %get3A_281 : i32 to index
        %get3A_284 = arith.index_cast %get3A_282 : i32 to index
        %get3A_285 = arith.constant 96 : index
        %get3A_286 = tpu.vector_load %arg7[%get3A_283, %get3A_284, %get3A_285] {strides = array<i32>} : memref<2x2x128xi32, #tpu.memory_space<vmem>>, vector<16xi32>,
        tpu.vector_store_idx %arg9[%get3A_286], %add3A_4 {add = true} : memref<1024xf32, #tpu.memory_space<vmem>>[vector<16xi32>], vector<16xf32>,
        %get3A_287 = arith.constant 0 : i32
        %get3A_288 = arith.constant 0 : i32
        %get3A_289 = arith.index_cast %get3A_287 : i32 to index
        %get3A_290 = arith.index_cast %get3A_288 : i32 to index
        %get3A_291 = arith.constant 112 : index
        %get3A_292 = tpu.vector_load %arg7[%get3A_289, %get3A_290, %get3A_291] {strides = array<i32>} : memref<2x2x128xi32, #tpu.memory_space<vmem>>, vector<16xi32>,
        tpu.vector_store_idx %arg9[%get3A_292], %add3A_4 {add = true} : memref<1024xf32, #tpu.memory_space<vmem>>[vector<16xi32>], vector<16xf32>,
        %get3A_293 = arith.constant 0 : i32
        %get3A_294 = arith.constant 1 : i32
        %get3A_295 = arith.index_cast %get3A_293 : i32 to index
        %get3A_296 = arith.index_cast %get3A_294 : i32 to index
        %get3A_297 = arith.constant 0 : index
        %get3A_298 = tpu.vector_load %arg7[%get3A_295, %get3A_296, %get3A_297] {strides = array<i32>} : memref<2x2x128xi32, #tpu.memory_space<vmem>>, vector<16xi32>,
        tpu.vector_store_idx %arg9[%get3A_298], %add3A_4 {add = true} : memref<1024xf32, #tpu.memory_space<vmem>>[vector<16xi32>], vector<16xf32>,
        %get3A_299 = arith.constant 0 : i32
        %get3A_300 = arith.constant 1 : i32
        %get3A_301 = arith.index_cast %get3A_299 : i32 to index
        %get3A_302 = arith.index_cast %get3A_300 : i32 to index
        %get3A_303 = arith.constant 16 : index
        %get3A_304 = tpu.vector_load %arg7[%get3A_301, %get3A_302, %get3A_303] {strides = array<i32>} : memref<2x2x128xi32, #tpu.memory_space<vmem>>, vector<16xi32>,
        tpu.vector_store_idx %arg9[%get3A_304], %add3A_4 {add = true} : memref<1024xf32, #tpu.memory_space<vmem>>[vector<16xi32>], vector<16xf32>,
        %get3A_305 = arith.constant 0 : i32
        %get3A_306 = arith.constant 1 : i32
        %get3A_307 = arith.index_cast %get3A_305 : i32 to index
        %get3A_308 = arith.index_cast %get3A_306 : i32 to index
        %get3A_309 = arith.constant 32 : index
        %get3A_310 = tpu.vector_load %arg7[%get3A_307, %get3A_308, %get3A_309] {strides = array<i32>} : memref<2x2x128xi32, #tpu.memory_space<vmem>>, vector<16xi32>,
        tpu.vector_store_idx %arg9[%get3A_310], %add3A_4 {add = true} : memref<1024xf32, #tpu.memory_space<vmem>>[vector<16xi32>], vector<16xf32>,
        %get3A_311 = arith.constant 0 : i32
        %get3A_312 = arith.constant 1 : i32
        %get3A_313 = arith.index_cast %get3A_311 : i32 to index
        %get3A_314 = arith.index_cast %get3A_312 : i32 to index
        %get3A_315 = arith.constant 48 : index
        %get3A_316 = tpu.vector_load %arg7[%get3A_313, %get3A_314, %get3A_315] {strides = array<i32>} : memref<2x2x128xi32, #tpu.memory_space<vmem>>, vector<16xi32>,
        tpu.vector_store_idx %arg9[%get3A_316], %add3A_4 {add = true} : memref<1024xf32, #tpu.memory_space<vmem>>[vector<16xi32>], vector<16xf32>,
        %get3A_317 = arith.constant 0 : i32
        %get3A_318 = arith.constant 1 : i32
        %get3A_319 = arith.index_cast %get3A_317 : i32 to index
        %get3A_320 = arith.index_cast %get3A_318 : i32 to index
        %get3A_321 = arith.constant 64 : index
        %get3A_322 = tpu.vector_load %arg7[%get3A_319, %get3A_320, %get3A_321] {strides = array<i32>} : memref<2x2x128xi32, #tpu.memory_space<vmem>>, vector<16xi32>,
        tpu.vector_store_idx %arg9[%get3A_322], %add3A_4 {add = true} : memref<1024xf32, #tpu.memory_space<vmem>>[vector<16xi32>], vector<16xf32>,
        %get3A_323 = arith.constant 0 : i32
        %get3A_324 = arith.constant 1 : i32
        %get3A_325 = arith.index_cast %get3A_323 : i32 to index
        %get3A_326 = arith.index_cast %get3A_324 : i32 to index
        %get3A_327 = arith.constant 80 : index
        %get3A_328 = tpu.vector_load %arg7[%get3A_325, %get3A_326, %get3A_327] {strides = array<i32>} : memref<2x2x128xi32, #tpu.memory_space<vmem>>, vector<16xi32>,
        tpu.vector_store_idx %arg9[%get3A_328], %add3A_4 {add = true} : memref<1024xf32, #tpu.memory_space<vmem>>[vector<16xi32>], vector<16xf32>,
        %get3A_329 = arith.constant 0 : i32
        %get3A_330 = arith.constant 1 : i32
        %get3A_331 = arith.index_cast %get3A_329 : i32 to index
        %get3A_332 = arith.index_cast %get3A_330 : i32 to index
        %get3A_333 = arith.constant 96 : index
        %get3A_334 = tpu.vector_load %arg7[%get3A_331, %get3A_332, %get3A_333] {strides = array<i32>} : memref<2x2x128xi32, #tpu.memory_space<vmem>>, vector<16xi32>,
        tpu.vector_store_idx %arg9[%get3A_334], %add3A_4 {add = true} : memref<1024xf32, #tpu.memory_space<vmem>>[vector<16xi32>], vector<16xf32>,
        %get3A_335 = arith.constant 0 : i32
        %get3A_336 = arith.constant 1 : i32
        %get3A_337 = arith.index_cast %get3A_335 : i32 to index
        %get3A_338 = arith.index_cast %get3A_336 : i32 to index
        %get3A_339 = arith.constant 112 : index
        %get3A_340 = tpu.vector_load %arg7[%get3A_337, %get3A_338, %get3A_339] {strides = array<i32>} : memref<2x2x128xi32, #tpu.memory_space<vmem>>, vector<16xi32>,
        tpu.vector_store_idx %arg9[%get3A_340], %add3A_4 {add = true} : memref<1024xf32, #tpu.memory_space<vmem>>[vector<16xi32>], vector<16xf32>,
      } else {
      }
      %mul3A_194 = arith.constant 2 : i32
      %mul3A_195 = arith.muli %scan3A_183, %mul3A_194 : i32
      %add3A_196 = arith.constant 1 : i32
      %add3A_197 = arith.addi %mul3A_195, %add3A_196 : i32
      %mul3A_198 = arith.constant 32 : i32
      %mul3A_199 = arith.muli %add3A_197, %mul3A_198 : i32
      %add3A_200 = arith.addi %add3A, %mul3A_199 : i32
      %lt3A_201 = arith.constant 1250 : i32
      %lt3A_202 = arith.cmpi slt, %add3A_200, %lt3A_201 : i32
      %convert_element_type3A_203 = arith.extui %lt3A_202 : i1 to i32
      %cond3A_204 = arith.constant 0 : i32
      %cond3A_205 = arith.cmpi ne, %convert_element_type3A_203, %cond3A_204 : i32
      scf.if %cond3A_205 {
        %add3A_207 = arith.constant 32 : i32
        %add3A_208 = arith.addi %add3A_200, %add3A_207 : i32
        %lt3A_209 = arith.constant 1250 : i32
        %lt3A_210 = arith.cmpi slt, %add3A_208, %lt3A_209 : i32
        %convert_element_type3A_211 = arith.extui %lt3A_210 : i1 to i32
        %cond3A_212 = arith.constant 0 : i32
        %cond3A_213 = arith.cmpi ne, %convert_element_type3A_211, %cond3A_212 : i32
        scf.if %cond3A_213 {
          %mul3A_341 = arith.constant 256 : i32
          %mul3A_342 = arith.muli %add3A_208, %mul3A_341 : i32
          %dma_start3A_343 = arith.constant 0 : i32
          %dma_start3A_344 = arith.constant 0 : i32
          %dma_start3A_345 = arith.constant 0 : i32
          %dma_start3A_346 = tpu.memref_slice %arg6[%dma_start3A_343, %dma_start3A_344, %dma_start3A_345] : memref<2x256x128xf32, #tpu.memory_space<vmem>> -> memref<1x256x128xf32, #tpu.memory_space<vmem>>
          %dma_start3A_347 = tpu.memref_squeeze %dma_start3A_346 : memref<1x256x128xf32, #tpu.memory_space<vmem>> -> memref<256x128xf32, #tpu.memory_space<vmem>>
          %dma_start3A_348 = arith.constant 0 : i32
          %dma_start3A_349 = tpu.memref_slice %arg2[%mul3A_342, %dma_start3A_348] : memref<320000x128xf32, #tpu.memory_space<hbm>> -> memref<256x128xf32, #tpu.memory_space<hbm>>
          %dma_start3A_350 = arith.constant 0 : i32
          %dma_start3A_351 = arith.constant 0 : i32
          %dma_start3A_352 = tpu.memref_slice %arg6[%dma_start3A_343, %dma_start3A_350, %dma_start3A_351] : memref<2x256x128xf32, #tpu.memory_space<vmem>> -> memref<1x256x128xf32, #tpu.memory_space<vmem>>
          %dma_start3A_353 = tpu.memref_squeeze %dma_start3A_352 : memref<1x256x128xf32, #tpu.memory_space<vmem>> -> memref<256x128xf32, #tpu.memory_space<vmem>>
          %dma_start3A_354 = arith.constant 0 : i32
          %dma_start3A_355 = tpu.memref_slice %arg2[%mul3A_342, %dma_start3A_354] : memref<320000x128xf32, #tpu.memory_space<hbm>> -> memref<256x128xf32, #tpu.memory_space<hbm>>
          tpu.enqueue_dma source(%dma_start3A_355 : memref<256x128xf32, #tpu.memory_space<hbm>>) target(%dma_start3A_353 : memref<256x128xf32, #tpu.memory_space<vmem>>) target_semaphore(%arg11 : memref<!tpu.dma_semaphore, #tpu.memory_space<semaphore_mem>>)
          %dma_start3A_356 = arith.constant 0 : i32
          %dma_start3A_357 = arith.constant 0 : i32
          %dma_start3A_358 = arith.constant 0 : i32
          %dma_start3A_359 = tpu.memref_slice %arg7[%dma_start3A_356, %dma_start3A_357, %dma_start3A_358] : memref<2x2x128xi32, #tpu.memory_space<vmem>> -> memref<1x2x128xi32, #tpu.memory_space<vmem>>
          %dma_start3A_360 = tpu.memref_squeeze %dma_start3A_359 : memref<1x2x128xi32, #tpu.memory_space<vmem>> -> memref<2x128xi32, #tpu.memory_space<vmem>>
          %dma_start3A_361 = arith.constant 0 : i32
          %dma_start3A_362 = arith.constant 0 : i32
          %dma_start3A_363 = tpu.memref_slice %arg3[%add3A_208, %dma_start3A_361, %dma_start3A_362] : memref<1250x2x128xi32, #tpu.memory_space<hbm>> -> memref<1x2x128xi32, #tpu.memory_space<hbm>>
          %dma_start3A_364 = tpu.memref_squeeze %dma_start3A_363 : memref<1x2x128xi32, #tpu.memory_space<hbm>> -> memref<2x128xi32, #tpu.memory_space<hbm>>
          %dma_start3A_365 = arith.constant 0 : i32
          %dma_start3A_366 = arith.constant 0 : i32
          %dma_start3A_367 = tpu.memref_slice %arg7[%dma_start3A_356, %dma_start3A_365, %dma_start3A_366] : memref<2x2x128xi32, #tpu.memory_space<vmem>> -> memref<1x2x128xi32, #tpu.memory_space<vmem>>
          %dma_start3A_368 = tpu.memref_squeeze %dma_start3A_367 : memref<1x2x128xi32, #tpu.memory_space<vmem>> -> memref<2x128xi32, #tpu.memory_space<vmem>>
          %dma_start3A_369 = arith.constant 0 : i32
          %dma_start3A_370 = arith.constant 0 : i32
          %dma_start3A_371 = tpu.memref_slice %arg3[%add3A_208, %dma_start3A_369, %dma_start3A_370] : memref<1250x2x128xi32, #tpu.memory_space<hbm>> -> memref<1x2x128xi32, #tpu.memory_space<hbm>>
          %dma_start3A_372 = tpu.memref_squeeze %dma_start3A_371 : memref<1x2x128xi32, #tpu.memory_space<hbm>> -> memref<2x128xi32, #tpu.memory_space<hbm>>
          tpu.enqueue_dma source(%dma_start3A_372 : memref<2x128xi32, #tpu.memory_space<hbm>>) target(%dma_start3A_368 : memref<2x128xi32, #tpu.memory_space<vmem>>) target_semaphore(%arg11 : memref<!tpu.dma_semaphore, #tpu.memory_space<semaphore_mem>>)
        } else {
        }
        %dma_wait3A = arith.constant 1 : i32
        %dma_wait3A_214 = arith.constant 0 : i32
        %dma_wait3A_215 = arith.constant 0 : i32
        %dma_wait3A_216 = tpu.memref_slice %arg6[%dma_wait3A, %dma_wait3A_214, %dma_wait3A_215] : memref<2x256x128xf32, #tpu.memory_space<vmem>> -> memref<1x256x128xf32, #tpu.memory_space<vmem>>
        %dma_wait3A_217 = tpu.memref_squeeze %dma_wait3A_216 : memref<1x256x128xf32, #tpu.memory_space<vmem>> -> memref<256x128xf32, #tpu.memory_space<vmem>>
        %dma_wait3A_218 = arith.constant 0 : i32
        %dma_wait3A_219 = arith.constant 0 : i32
        %dma_wait3A_220 = tpu.memref_slice %arg2[%dma_wait3A_218, %dma_wait3A_219] : memref<320000x128xf32, #tpu.memory_space<hbm>> -> memref<256x128xf32, #tpu.memory_space<hbm>>
        %dma_wait3A_221 = arith.constant 0 : i32
        %dma_wait3A_222 = arith.constant 0 : i32
        %dma_wait3A_223 = tpu.memref_slice %arg6[%dma_wait3A, %dma_wait3A_221, %dma_wait3A_222] : memref<2x256x128xf32, #tpu.memory_space<vmem>> -> memref<1x256x128xf32, #tpu.memory_space<vmem>>
        %dma_wait3A_224 = tpu.memref_squeeze %dma_wait3A_223 : memref<1x256x128xf32, #tpu.memory_space<vmem>> -> memref<256x128xf32, #tpu.memory_space<vmem>>
        %dma_wait3A_225 = arith.constant 0 : i32
        %dma_wait3A_226 = arith.constant 0 : i32
        %dma_wait3A_227 = tpu.memref_slice %arg2[%dma_wait3A_225, %dma_wait3A_226] : memref<320000x128xf32, #tpu.memory_space<hbm>> -> memref<256x128xf32, #tpu.memory_space<hbm>>
        tpu.wait_dma2 semaphore(%arg12 : memref<!tpu.dma_semaphore, #tpu.memory_space<semaphore_mem>>) src(%dma_wait3A_227 : memref<256x128xf32, #tpu.memory_space<hbm>>) dst(%dma_wait3A_224 : memref<256x128xf32, #tpu.memory_space<vmem>>)
        %dma_wait3A_228 = arith.constant 0 : i32
        %dma_wait3A_229 = arith.constant 1 : i32
        %dma_wait3A_230 = arith.constant 0 : i32
        %dma_wait3A_231 = arith.constant 0 : i32
        %dma_wait3A_232 = tpu.memref_slice %arg7[%dma_wait3A_229, %dma_wait3A_230, %dma_wait3A_231] : memref<2x2x128xi32, #tpu.memory_space<vmem>> -> memref<1x2x128xi32, #tpu.memory_space<vmem>>
        %dma_wait3A_233 = tpu.memref_squeeze %dma_wait3A_232 : memref<1x2x128xi32, #tpu.memory_space<vmem>> -> memref<2x128xi32, #tpu.memory_space<vmem>>
        %dma_wait3A_234 = arith.constant 0 : i32
        %dma_wait3A_235 = arith.constant 0 : i32
        %dma_wait3A_236 = tpu.memref_slice %arg3[%dma_wait3A_228, %dma_wait3A_234, %dma_wait3A_235] : memref<1250x2x128xi32, #tpu.memory_space<hbm>> -> memref<1x2x128xi32, #tpu.memory_space<hbm>>
        %dma_wait3A_237 = tpu.memref_squeeze %dma_wait3A_236 : memref<1x2x128xi32, #tpu.memory_space<hbm>> -> memref<2x128xi32, #tpu.memory_space<hbm>>
        %dma_wait3A_238 = arith.constant 0 : i32
        %dma_wait3A_239 = arith.constant 0 : i32
        %dma_wait3A_240 = tpu.memref_slice %arg7[%dma_wait3A_229, %dma_wait3A_238, %dma_wait3A_239] : memref<2x2x128xi32, #tpu.memory_space<vmem>> -> memref<1x2x128xi32, #tpu.memory_space<vmem>>
        %dma_wait3A_241 = tpu.memref_squeeze %dma_wait3A_240 : memref<1x2x128xi32, #tpu.memory_space<vmem>> -> memref<2x128xi32, #tpu.memory_space<vmem>>
        %dma_wait3A_242 = arith.constant 0 : i32
        %dma_wait3A_243 = arith.constant 0 : i32
        %dma_wait3A_244 = tpu.memref_slice %arg3[%dma_wait3A_228, %dma_wait3A_242, %dma_wait3A_243] : memref<1250x2x128xi32, #tpu.memory_space<hbm>> -> memref<1x2x128xi32, #tpu.memory_space<hbm>>
        %dma_wait3A_245 = tpu.memref_squeeze %dma_wait3A_244 : memref<1x2x128xi32, #tpu.memory_space<hbm>> -> memref<2x128xi32, #tpu.memory_space<hbm>>
        tpu.wait_dma2 semaphore(%arg12 : memref<!tpu.dma_semaphore, #tpu.memory_space<semaphore_mem>>) src(%dma_wait3A_245 : memref<2x128xi32, #tpu.memory_space<hbm>>) dst(%dma_wait3A_241 : memref<2x128xi32, #tpu.memory_space<vmem>>)
        %get3A = arith.constant 1 : i32
        %get3A_246 = arith.constant 0 : i32
        %get3A_247 = arith.index_cast %get3A : i32 to index
        %get3A_248 = arith.index_cast %get3A_246 : i32 to index
        %get3A_249 = arith.constant 0 : index
        %get3A_250 = tpu.vector_load %arg7[%get3A_247, %get3A_248, %get3A_249] {strides = array<i32>} : memref<2x2x128xi32, #tpu.memory_space<vmem>>, vector<16xi32>,
        tpu.vector_store_idx %arg9[%get3A_250], %add3A_4 {add = true} : memref<1024xf32, #tpu.memory_space<vmem>>[vector<16xi32>], vector<16xf32>,
        %get3A_251 = arith.constant 1 : i32
        %get3A_252 = arith.constant 0 : i32
        %get3A_253 = arith.index_cast %get3A_251 : i32 to index
        %get3A_254 = arith.index_cast %get3A_252 : i32 to index
        %get3A_255 = arith.constant 16 : index
        %get3A_256 = tpu.vector_load %arg7[%get3A_253, %get3A_254, %get3A_255] {strides = array<i32>} : memref<2x2x128xi32, #tpu.memory_space<vmem>>, vector<16xi32>,
        tpu.vector_store_idx %arg9[%get3A_256], %add3A_4 {add = true} : memref<1024xf32, #tpu.memory_space<vmem>>[vector<16xi32>], vector<16xf32>,
        %get3A_257 = arith.constant 1 : i32
        %get3A_258 = arith.constant 0 : i32
        %get3A_259 = arith.index_cast %get3A_257 : i32 to index
        %get3A_260 = arith.index_cast %get3A_258 : i32 to index
        %get3A_261 = arith.constant 32 : index
        %get3A_262 = tpu.vector_load %arg7[%get3A_259, %get3A_260, %get3A_261] {strides = array<i32>} : memref<2x2x128xi32, #tpu.memory_space<vmem>>, vector<16xi32>,
        tpu.vector_store_idx %arg9[%get3A_262], %add3A_4 {add = true} : memref<1024xf32, #tpu.memory_space<vmem>>[vector<16xi32>], vector<16xf32>,
        %get3A_263 = arith.constant 1 : i32
        %get3A_264 = arith.constant 0 : i32
        %get3A_265 = arith.index_cast %get3A_263 : i32 to index
        %get3A_266 = arith.index_cast %get3A_264 : i32 to index
        %get3A_267 = arith.constant 48 : index
        %get3A_268 = tpu.vector_load %arg7[%get3A_265, %get3A_266, %get3A_267] {strides = array<i32>} : memref<2x2x128xi32, #tpu.memory_space<vmem>>, vector<16xi32>,
        tpu.vector_store_idx %arg9[%get3A_268], %add3A_4 {add = true} : memref<1024xf32, #tpu.memory_space<vmem>>[vector<16xi32>], vector<16xf32>,
        %get3A_269 = arith.constant 1 : i32
        %get3A_270 = arith.constant 0 : i32
        %get3A_271 = arith.index_cast %get3A_269 : i32 to index
        %get3A_272 = arith.index_cast %get3A_270 : i32 to index
        %get3A_273 = arith.constant 64 : index
        %get3A_274 = tpu.vector_load %arg7[%get3A_271, %get3A_272, %get3A_273] {strides = array<i32>} : memref<2x2x128xi32, #tpu.memory_space<vmem>>, vector<16xi32>,
        tpu.vector_store_idx %arg9[%get3A_274], %add3A_4 {add = true} : memref<1024xf32, #tpu.memory_space<vmem>>[vector<16xi32>], vector<16xf32>,
        %get3A_275 = arith.constant 1 : i32
        %get3A_276 = arith.constant 0 : i32
        %get3A_277 = arith.index_cast %get3A_275 : i32 to index
        %get3A_278 = arith.index_cast %get3A_276 : i32 to index
        %get3A_279 = arith.constant 80 : index
        %get3A_280 = tpu.vector_load %arg7[%get3A_277, %get3A_278, %get3A_279] {strides = array<i32>} : memref<2x2x128xi32, #tpu.memory_space<vmem>>, vector<16xi32>,
        tpu.vector_store_idx %arg9[%get3A_280], %add3A_4 {add = true} : memref<1024xf32, #tpu.memory_space<vmem>>[vector<16xi32>], vector<16xf32>,
        %get3A_281 = arith.constant 1 : i32
        %get3A_282 = arith.constant 0 : i32
        %get3A_283 = arith.index_cast %get3A_281 : i32 to index
        %get3A_284 = arith.index_cast %get3A_282 : i32 to index
        %get3A_285 = arith.constant 96 : index
        %get3A_286 = tpu.vector_load %arg7[%get3A_283, %get3A_284, %get3A_285] {strides = array<i32>} : memref<2x2x128xi32, #tpu.memory_space<vmem>>, vector<16xi32>,
        tpu.vector_store_idx %arg9[%get3A_286], %add3A_4 {add = true} : memref<1024xf32, #tpu.memory_space<vmem>>[vector<16xi32>], vector<16xf32>,
        %get3A_287 = arith.constant 1 : i32
        %get3A_288 = arith.constant 0 : i32
        %get3A_289 = arith.index_cast %get3A_287 : i32 to index
        %get3A_290 = arith.index_cast %get3A_288 : i32 to index
        %get3A_291 = arith.constant 112 : index
        %get3A_292 = tpu.vector_load %arg7[%get3A_289, %get3A_290, %get3A_291] {strides = array<i32>} : memref<2x2x128xi32, #tpu.memory_space<vmem>>, vector<16xi32>,
        tpu.vector_store_idx %arg9[%get3A_292], %add3A_4 {add = true} : memref<1024xf32, #tpu.memory_space<vmem>>[vector<16xi32>], vector<16xf32>,
        %get3A_293 = arith.constant 1 : i32
        %get3A_294 = arith.constant 1 : i32
        %get3A_295 = arith.index_cast %get3A_293 : i32 to index
        %get3A_296 = arith.index_cast %get3A_294 : i32 to index
        %get3A_297 = arith.constant 0 : index
        %get3A_298 = tpu.vector_load %arg7[%get3A_295, %get3A_296, %get3A_297] {strides = array<i32>} : memref<2x2x128xi32, #tpu.memory_space<vmem>>, vector<16xi32>,
        tpu.vector_store_idx %arg9[%get3A_298], %add3A_4 {add = true} : memref<1024xf32, #tpu.memory_space<vmem>>[vector<16xi32>], vector<16xf32>,
        %get3A_299 = arith.constant 1 : i32
        %get3A_300 = arith.constant 1 : i32
        %get3A_301 = arith.index_cast %get3A_299 : i32 to index
        %get3A_302 = arith.index_cast %get3A_300 : i32 to index
        %get3A_303 = arith.constant 16 : index
        %get3A_304 = tpu.vector_load %arg7[%get3A_301, %get3A_302, %get3A_303] {strides = array<i32>} : memref<2x2x128xi32, #tpu.memory_space<vmem>>, vector<16xi32>,
        tpu.vector_store_idx %arg9[%get3A_304], %add3A_4 {add = true} : memref<1024xf32, #tpu.memory_space<vmem>>[vector<16xi32>], vector<16xf32>,
        %get3A_305 = arith.constant 1 : i32
        %get3A_306 = arith.constant 1 : i32
        %get3A_307 = arith.index_cast %get3A_305 : i32 to index
        %get3A_308 = arith.index_cast %get3A_306 : i32 to index
        %get3A_309 = arith.constant 32 : index
        %get3A_310 = tpu.vector_load %arg7[%get3A_307, %get3A_308, %get3A_309] {strides = array<i32>} : memref<2x2x128xi32, #tpu.memory_space<vmem>>, vector<16xi32>,
        tpu.vector_store_idx %arg9[%get3A_310], %add3A_4 {add = true} : memref<1024xf32, #tpu.memory_space<vmem>>[vector<16xi32>], vector<16xf32>,
        %get3A_311 = arith.constant 1 : i32
        %get3A_312 = arith.constant 1 : i32
        %get3A_313 = arith.index_cast %get3A_311 : i32 to index
        %get3A_314 = arith.index_cast %get3A_312 : i32 to index
        %get3A_315 = arith.constant 48 : index
        %get3A_316 = tpu.vector_load %arg7[%get3A_313, %get3A_314, %get3A_315] {strides = array<i32>} : memref<2x2x128xi32, #tpu.memory_space<vmem>>, vector<16xi32>,
        tpu.vector_store_idx %arg9[%get3A_316], %add3A_4 {add = true} : memref<1024xf32, #tpu.memory_space<vmem>>[vector<16xi32>], vector<16xf32>,
        %get3A_317 = arith.constant 1 : i32
        %get3A_318 = arith.constant 1 : i32
        %get3A_319 = arith.index_cast %get3A_317 : i32 to index
        %get3A_320 = arith.index_cast %get3A_318 : i32 to index
        %get3A_321 = arith.constant 64 : index
        %get3A_322 = tpu.vector_load %arg7[%get3A_319, %get3A_320, %get3A_321] {strides = array<i32>} : memref<2x2x128xi32, #tpu.memory_space<vmem>>, vector<16xi32>,
        tpu.vector_store_idx %arg9[%get3A_322], %add3A_4 {add = true} : memref<1024xf32, #tpu.memory_space<vmem>>[vector<16xi32>], vector<16xf32>,
        %get3A_323 = arith.constant 1 : i32
        %get3A_324 = arith.constant 1 : i32
        %get3A_325 = arith.index_cast %get3A_323 : i32 to index
        %get3A_326 = arith.index_cast %get3A_324 : i32 to index
        %get3A_327 = arith.constant 80 : index
        %get3A_328 = tpu.vector_load %arg7[%get3A_325, %get3A_326, %get3A_327] {strides = array<i32>} : memref<2x2x128xi32, #tpu.memory_space<vmem>>, vector<16xi32>,
        tpu.vector_store_idx %arg9[%get3A_328], %add3A_4 {add = true} : memref<1024xf32, #tpu.memory_space<vmem>>[vector<16xi32>], vector<16xf32>,
        %get3A_329 = arith.constant 1 : i32
        %get3A_330 = arith.constant 1 : i32
        %get3A_331 = arith.index_cast %get3A_329 : i32 to index
        %get3A_332 = arith.index_cast %get3A_330 : i32 to index
        %get3A_333 = arith.constant 96 : index
        %get3A_334 = tpu.vector_load %arg7[%get3A_331, %get3A_332, %get3A_333] {strides = array<i32>} : memref<2x2x128xi32, #tpu.memory_space<vmem>>, vector<16xi32>,
        tpu.vector_store_idx %arg9[%get3A_334], %add3A_4 {add = true} : memref<1024xf32, #tpu.memory_space<vmem>>[vector<16xi32>], vector<16xf32>,
        %get3A_335 = arith.constant 1 : i32
        %get3A_336 = arith.constant 1 : i32
        %get3A_337 = arith.index_cast %get3A_335 : i32 to index
        %get3A_338 = arith.index_cast %get3A_336 : i32 to index
        %get3A_339 = arith.constant 112 : index
        %get3A_340 = tpu.vector_load %arg7[%get3A_337, %get3A_338, %get3A_339] {strides = array<i32>} : memref<2x2x128xi32, #tpu.memory_space<vmem>>, vector<16xi32>,
        tpu.vector_store_idx %arg9[%get3A_340], %add3A_4 {add = true} : memref<1024xf32, #tpu.memory_space<vmem>>[vector<16xi32>], vector<16xf32>,
      } else {
      }
      %scan3A_206 = arith.constant 0 : i32
      scf.yield %scan3A_206 : i32
    }
    %scan3A_177 = arith.constant 20 : i32
    %barrier3A_178 = arith.constant 0 : index
    tpu.barrier barrier_id(%barrier3A_178)
    %mul3A_179 = arith.constant 64 : i32
    %mul3A_180 = arith.muli %arg1, %mul3A_179 : i32
    %mul3A_181 = arith.constant 64 : i32
    %mul3A_182 = arith.muli %arg1, %mul3A_181 : i32
    "tpu.region"() ({
      %run_scoped3A = tpu.sem_alloc : memref<!tpu.dma_semaphore, #tpu.memory_space<semaphore_mem>>
      %dma_start3A_183 = arith.constant 0 : i32
      %dma_start3A_184 = tpu.memref_slice %arg4[%arg0, %mul3A_182, %dma_start3A_183] : memref<2x1024x128xf32, #tpu.memory_space<hbm>> -> memref<1x64x128xf32, #tpu.memory_space<hbm>>
      %dma_start3A_185 = tpu.memref_squeeze %dma_start3A_184 : memref<1x64x128xf32, #tpu.memory_space<hbm>> -> memref<64x128xf32, #tpu.memory_space<hbm>>
      %dma_start3A_186 = arith.constant 0 : i32
      %dma_start3A_187 = tpu.memref_slice %arg10[%mul3A_180, %dma_start3A_186] : memref<1024x128xf32, #tpu.memory_space<vmem_shared>> -> memref<64x128xf32, #tpu.memory_space<vmem_shared>>
      tpu.enqueue_dma source(%dma_start3A_187 : memref<64x128xf32, #tpu.memory_space<vmem_shared>>) target(%dma_start3A_185 : memref<64x128xf32, #tpu.memory_space<hbm>>) target_semaphore(%run_scoped3A : memref<!tpu.dma_semaphore, #tpu.memory_space<semaphore_mem>>)
      %dma_wait3A = arith.constant 0 : i32
      %dma_wait3A_188 = tpu.memref_slice %arg4[%arg0, %mul3A_182, %dma_wait3A] : memref<2x1024x128xf32, #tpu.memory_space<hbm>> -> memref<1x64x128xf32, #tpu.memory_space<hbm>>
      %dma_wait3A_189 = tpu.memref_squeeze %dma_wait3A_188 : memref<1x64x128xf32, #tpu.memory_space<hbm>> -> memref<64x128xf32, #tpu.memory_space<hbm>>
      %dma_wait3A_190 = arith.constant 0 : i32
      %dma_wait3A_191 = tpu.memref_slice %arg10[%mul3A_180, %dma_wait3A_190] : memref<1024x128xf32, #tpu.memory_space<vmem_shared>> -> memref<64x128xf32, #tpu.memory_space<vmem_shared>>
      tpu.wait_dma2 semaphore(%run_scoped3A : memref<!tpu.dma_semaphore, #tpu.memory_space<semaphore_mem>>) src(%dma_wait3A_191 : memref<64x128xf32, #tpu.memory_space<vmem_shared>>) dst(%dma_wait3A_189 : memref<64x128xf32, #tpu.memory_space<hbm>>)
      tpu.yield
    }) : () -> ()
    "tpu.region"() ({
      %run_scoped3A = tpu.sem_alloc : memref<!tpu.dma_semaphore, #tpu.memory_space<semaphore_mem>>
      %dma_start3A_183 = arith.constant 0 : i32
      %dma_start3A_184 = tpu.memref_slice %arg5[%add3A, %dma_start3A_183] : memref<32x1024xf32, #tpu.memory_space<hbm>> -> memref<1x1024xf32, #tpu.memory_space<hbm>>
      %dma_start3A_185 = tpu.memref_squeeze %dma_start3A_184 : memref<1x1024xf32, #tpu.memory_space<hbm>> -> memref<1024xf32, #tpu.memory_space<hbm>>
      %dma_start3A_186 = arith.constant 0 : i32
      %dma_start3A_187 = tpu.memref_slice %arg5[%add3A, %dma_start3A_186] : memref<32x1024xf32, #tpu.memory_space<hbm>> -> memref<1x1024xf32, #tpu.memory_space<hbm>>
      %dma_start3A_188 = tpu.memref_squeeze %dma_start3A_187 : memref<1x1024xf32, #tpu.memory_space<hbm>> -> memref<1024xf32, #tpu.memory_space<hbm>>
      tpu.enqueue_dma source(%arg9 : memref<1024xf32, #tpu.memory_space<vmem>>) target(%dma_start3A_188 : memref<1024xf32, #tpu.memory_space<hbm>>) target_semaphore(%run_scoped3A : memref<!tpu.dma_semaphore, #tpu.memory_space<semaphore_mem>>)
      %dma_wait3A = arith.constant 0 : i32
      %dma_wait3A_189 = tpu.memref_slice %arg5[%add3A, %dma_wait3A] : memref<32x1024xf32, #tpu.memory_space<hbm>> -> memref<1x1024xf32, #tpu.memory_space<hbm>>
      %dma_wait3A_190 = tpu.memref_squeeze %dma_wait3A_189 : memref<1x1024xf32, #tpu.memory_space<hbm>> -> memref<1024xf32, #tpu.memory_space<hbm>>
      %dma_wait3A_191 = arith.constant 0 : i32
      %dma_wait3A_192 = tpu.memref_slice %arg5[%add3A, %dma_wait3A_191] : memref<32x1024xf32, #tpu.memory_space<hbm>> -> memref<1x1024xf32, #tpu.memory_space<hbm>>
      %dma_wait3A_193 = tpu.memref_squeeze %dma_wait3A_192 : memref<1x1024xf32, #tpu.memory_space<hbm>> -> memref<1024xf32, #tpu.memory_space<hbm>>
      tpu.wait_dma2 semaphore(%run_scoped3A : memref<!tpu.dma_semaphore, #tpu.memory_space<semaphore_mem>>) src(%arg9 : memref<1024xf32, #tpu.memory_space<vmem>>) dst(%dma_wait3A_193 : memref<1024xf32, #tpu.memory_space<hbm>>)
      tpu.yield
    }) : () -> ()
    return
  }
}

</mosaic_0001>

<sc_bundles>
// kernel: kernel.3.cloned.1.call-start
scs
__scs_entry_jumppad:
0x0: {  	(pc) =	sbr.rel $0x88, $3  }
0x1: {  	(tag) =	ssettag $0x0;
	lr =	simm.s32 $0x1  }
0x2: {  	[smem:$0x3F9F] =	sst lr;
	_ =	strace $0xD0000000  }
0x3: {  	_ = 	snop  }
0x4: {  	_ = 	snop  }
0x5: {  	_ = 	snop  }
0x6: {  	_ = 	snop  }
0x7: {  	_ = 	snop  }
__scs_overlays_trampoline_lowered:
0x8: {  	[smem:$0x3FAE] =	sst s0  }
0x9: {  	[smem:$0x3FAF] =	sst s1  }
0xa: {  	[smem:$0x3FB0] =	sst s2  }
0xb: {  	[smem:$0x3FB1] =	sst s3  }
0xc: {  	[smem:$0x3FB2] =	sst s4  }
0xd: {  	[smem:$0x3FB3] =	sst s5  }
0xe: {  	[smem:$0x3FB4] =	sst s6  }
0xf: {  	[smem:$0x3FB5] =	sst s7  }
0x10: {  	[smem:$0x3FB6] =	sst s8  }
0x11: {  	[smem:$0x3FB7] =	sst s9;
	s0 =	simm.s32 @!p0 $0x0  }
0x12: {  	s1 =	sld [smem:$0x3F9D];
	s0 =	simm.s32 @p0 $0x1  }
0x13: {  	[smem:$0x3FB8] =	sst s0;
	s0 =	simm.s32 @!p1 $0x0  }
0x14: {  	s2 =	sld [smem:$0x3F9C];
	s0 =	simm.s32 @p1 $0x1  }
0x15: {  	[smem:$0x3FB9] =	sst s0;
	s0 =	simm.s32 @!p2 $0x0  }
0x16: {  	s3 =	sld [smem:$0x3FDB];
	s0 =	simm.s32 @p2 $0x1  }
0x17: {  	s4 =	simm.s32 $0x1BF5;
	[smem:$0x3FBB] =	sst s0  }
0x18: {  	s0 =	sld [smem:$0x3F9E];
	_ =	swait.ge [sflag:s4], $0x0  }
0x19: {  	s7 =	sld [smem:$0x3F9F]  }
0x1a: {  	s8 =	sadd.s32 $0xFFFFE003, lr  }
0x1b: {  	s9 =	sadd.s32 $0xFFFFFEF7, lr;
	s5 =	simm.s32 $0xFFFFFFFF;
	p2 =	slt.u32 s8, $0xFFFFF086  }
0x1c: {  	p1 =	slt.u32 s9, $0xF7A;
	s5 =	simm.s32 @!p2 $0x0  }
0x1d: {  	s5 =	simm.s32 @p1 $0x1;
	p0 =	seq.s32 s7, s2  }
0x1e: {  	s7 =	smul.u32 @!p0 $0xF7A, s2;
	p2 =	seq.s32 @!p0 s5, $0x0  }
0x1f: {  	s9 =	smul.u32 $0xF7A, s1;
	s8 =	simm.s32 @!p0 $0x1BF5;
	p2 =	por !p2, p0  }
0x20: {  	[sflag:s8] =	ssyncset.s32 @!p0 $0xFFFFF086;
	s6 =	sadd.s32 @!p0 s3, s7;
	s7 =	simm.s32 @!p0 $0x108  }
0x21: {  	s3 =	sadd.s32 s3, s9;
	s6 =	sadd.s32 @!p0 $0x88, s6;
	s7 =	simm.s32 @p2 $0x1082  }
0x22: {  	[simem:s7], [sflag:s8] =	dma.local @!p0 [hbm:s6], $0xF7A  }
0x23: {  	s9 =	sor.u32 $0xD0000000, s2;
	s6 =	simm.s32 $0x108;
	_ =	swait.ge @!p0 [sflag:s8], $0x0  }
0x24: {  	s3 =	sadd.s32 $0x88, s3;
	s6 =	simm.s32 @!p1 $0x1082;
	[sflag:s4] =	ssyncset.s32 $0xFFFFF086  }
0x25: {  	[simem:s6], [sflag:s4] =	dma.local [hbm:s3], $0xF7A  }
0x26: {  	[smem:$0x3F9F] =	sst s1;
	(tag) =	ssettag s2;
	_ =	strace s9  }
0x27: {  	s1 =	sld [smem:$0x3FAF]  }
0x28: {  	s2 =	sld [smem:$0x3FB0]  }
0x29: {  	s4 =	sld [smem:$0x3FB2]  }
0x2a: {  	p0 =	seq.s32 s5, $0x0;
	s5 =	sld [smem:$0x3FB3]  }
0x2b: {  	s6 =	sld [smem:$0x3FB4]  }
0x2c: {  	s7 =	sld [smem:$0x3FB5]  }
0x2d: {  	s3 =	simm.s32 $0x108;
	s8 =	sld [smem:$0x3FB6]  }
0x2e: {  	s3 =	simm.s32 @!p0 $0x1082;
	s9 =	sld [smem:$0x3FB7]  }
0x2f: {  	lr =	sadd.s32 s0, s3;
	s0 =	sld [smem:$0x3FAE]  }
0x30: {  	s3 =	sld [smem:$0x3FB1]  }
0x31: {  	[smem:$0x3FBA] =	sst s10  }
0x32: {  	s10 =	sld [smem:$0x3FB8];
	_ =	sdelay $0x3  }
0x33: {  	p0 =	seq.s32 s10, $0x1;
	s10 =	sld [smem:$0x3FBA];
	_ =	sdelay $0x3  }
0x34: {  	[smem:$0x3FBA] =	sst s10  }
0x35: {  	s10 =	sld [smem:$0x3FB9];
	_ =	sdelay $0x3  }
0x36: {  	p1 =	seq.s32 s10, $0x1;
	s10 =	sld [smem:$0x3FBA];
	_ =	sdelay $0x3  }
0x37: {  	[smem:$0x3FBA] =	sst s10  }
0x38: {  	s10 =	sld [smem:$0x3FBB]  }
0x39: {  	_ = 	snop;
	(pc) =	sbr.ind lr, $3  }
0x3a: {  	_ = 	snop  }
0x3b: {  	_ = 	snop  }
0x3c: {  	p2 =	seq.s32 s10, $0x1;
	s10 =	sld [smem:$0x3FBA]  }
0x3d: {  	_ =	shalt  }
0x3e: {  	_ =	shalt  }
0x3f: {  	_ =	shalt  }
0x40: {  	_ =	shalt  }
0x41: {  	_ =	shalt  }
0x42: {  	_ =	shalt  }
0x43: {  	_ =	shalt  }
0x44: {  	_ =	shalt  }
0x45: {  	_ =	shalt  }
0x46: {  	_ =	shalt  }
0x47: {  	_ =	shalt  }
0x48: {  	_ =	shalt  }
0x49: {  	_ =	shalt  }
0x4a: {  	_ =	shalt  }
0x4b: {  	_ =	shalt  }
0x4c: {  	_ =	shalt  }
0x4d: {  	_ =	shalt  }
0x4e: {  	_ =	shalt  }
0x4f: {  	_ =	shalt  }
0x50: {  	_ =	shalt  }
0x51: {  	_ =	shalt  }
0x52: {  	_ =	shalt  }
0x53: {  	_ =	shalt  }
0x54: {  	_ =	shalt  }
0x55: {  	_ =	shalt  }
0x56: {  	_ =	shalt  }
0x57: {  	_ =	shalt  }
0x58: {  	_ =	shalt  }
0x59: {  	_ =	shalt  }
0x5a: {  	_ =	shalt  }
0x5b: {  	_ =	shalt  }
0x5c: {  	_ =	shalt  }
0x5d: {  	_ =	shalt  }
0x5e: {  	_ =	shalt  }
0x5f: {  	_ =	shalt  }
0x60: {  	_ =	shalt  }
0x61: {  	_ =	shalt  }
0x62: {  	_ =	shalt  }
0x63: {  	_ =	shalt  }
0x64: {  	_ =	shalt  }
0x65: {  	_ =	shalt  }
0x66: {  	_ =	shalt  }
0x67: {  	_ =	shalt  }
0x68: {  	_ =	shalt  }
0x69: {  	_ =	shalt  }
0x6a: {  	_ =	shalt  }
0x6b: {  	_ =	shalt  }
0x6c: {  	_ =	shalt  }
0x6d: {  	_ =	shalt  }
0x6e: {  	_ =	shalt  }
0x6f: {  	_ =	shalt  }
0x70: {  	_ =	shalt  }
0x71: {  	_ =	shalt  }
0x72: {  	_ =	shalt  }
0x73: {  	_ =	shalt  }
0x74: {  	_ =	shalt  }
0x75: {  	_ =	shalt  }
0x76: {  	_ =	shalt  }
0x77: {  	_ =	shalt  }
0x78: {  	_ =	shalt  }
0x79: {  	_ =	shalt  }
0x7a: {  	_ =	shalt  }
0x7b: {  	_ =	shalt  }
0x7c: {  	_ =	shalt  }
0x7d: {  	_ =	shalt  }
0x7e: {  	_ =	shalt  }
0x7f: {  	_ =	shalt  }
0x80: {  	_ =	shalt  }
0x81: {  	_ =	shalt  }
0x82: {  	_ =	shalt  }
0x83: {  	_ =	shalt  }
0x84: {  	_ =	shalt  }
0x85: {  	_ =	shalt  }
0x86: {  	_ =	shalt  }
0x87: {  	_ =	shalt  }
.Lfunc_end0:
.L_simem_size_0:
called_computation_lowered:
.L_overlay_start_0:
0x88: {  	s2 =	sld [smem:$0x3FD9]  }
0x89: {  	s3 =	sld [smem:$0x3FFE];
	_ =	sdelay $0x1  }
0x8a: {  	s1 =	srdreg.scid  }
0x8b: {  	s0 =	sand.u32 $0x1, s1  }
0x8c: {  	s17 =	sshll.u32 s0, $0xA;
	s2 =	sadd.s32 s3, s2  }
0x8d: {  	s2 =	sadd.s32 s2, s17  }
0x8e: {  	[smem:$0x3FC6] =	sst s2  }
0x8f: {  	_ = 	snop  }
0x90: {  	s2 =	sld [smem:$0x3FC9]  }
0x91: {  	s18 =	sld [smem:$0x3FD0];
	(tm) =	ssettm $0x1  }
0x92: {  	s4 =	sld [smem:$0x3FFB];
	_ =	sdelay $0x3  }
0x93: {  	_ =	strace s4  }
0x94: {  	s4 =	sld [smem:$0x3FFC];
	_ =	sdelay $0x3  }
0x95: {  	_ =	strace s4  }
0x96: {  	s4 =	sld [smem:$0x3FFD];
	_ =	sdelay $0x3  }
0x97: {  	_ =	strace s4  }
0x98: {  	_ =	strace $0x8FFFFFFF  }
0x99: {  	s19 =	sld [smem:$0x3FDB];
	_ =	sdelay $0x1  }
0x9a: {  	s5 =	simm.s32 $_scs_section_size  }
0x9b: {  	s6 =	simm.s32 $_size__tile_overlayer_lowered;
	s7 =	simm.s32 $_tile_overlayer_lowered  }
0x9c: {  	s22 =	simm.s32 $0x1BFF;
	s21 =	sshll.u32 s7, $0x1;
	s4 =	sadd.s32 s5, s19  }
0x9d: {  	s8 =	simm.s32 $0x0;
	s20 =	sshll.u32 s6, $0x1;
	s6 =	sadd.s32 s21, s4  }
0x9e: {  	[timem:s8], [sflag:s22] =	dma.local [hbm:s6], s20  }
0x9f: {  	_ =	swait.ge [sflag:s22], s20  }
0xa0: {  	s5 =	ssub.s32 $0x0, s20;
	[sflag:s22] =	ssyncset.done $0x0  }
0xa1: {  	[sflag:s22] =	ssyncadd.s32 s5;
	_ =	sdelay $0x1  }
0xa2: {  	s23 =	simm.s32 $0x1B8B  }
0xa3: {  	_ =	swait.ge [sflag:s23], $0x1  }
0xa4: {  	[sflag:s23] =	ssyncset.done $0x0  }
0xa5: {  	s25 =	simm.s32 $0x1B8E;
	s24 =	sld [smem:$0x3FFE];
	[sflag:s23] =	ssyncadd.s32 $0xFFFFFFFF  }
0xa6: {  	s26 =	simm.s32 $execute0_lowered;
	[smem:$0x3FD2] =	sst s25  }
0xa7: {  	s6 =	sshll.u32 s26, $0x1;
	_ =	strace $0x80000046;
	[dreg:$0x1] =	wrdreg $0xFFFFFFFF  }
0xa8: {  	s28 =	simm.s32 $_size_execute0_lowered;
	s4 =	sadd.s32 s4, s6;
	[dreg:$0x0] =	wrdreg $0x0  }
0xa9: {  	s6 =	sshll.u32 s28, $0x1;
	[dreg:$0x2] =	wrdreg s4  }
0xaa: {  	[dreg:$0x3] =	wrdreg s6  }
0xab: {  	[dreg:$0x4] =	wrdreg $0xC0  }
0xac: {  	_ =	task [dreg:s8], $0x5FFFF  }
0xad: {  	[dreg:$0x1] =	wrdreg $0xFFFFFFFF  }
0xae: {  	[dreg:$0x0] =	wrdreg $0x60  }
0xaf: {  	[dreg:$0x2] =	wrdreg s2  }
0xb0: {  	[dreg:$0x3] =	wrdreg s24  }
0xb1: {  	[dreg:$0x4] =	wrdreg s18  }
0xb2: {  	[dreg:$0x5] =	wrdreg $0x126000  }
0xb3: {  	[dreg:$0x6] =	wrdreg $0x9  }
0xb4: {  	_ =	task.clear_ibuf [dreg:s8], $0x7FFFF;
	_ =	strace $0x90000046  }
0xb5: {  	s29 =	simm.s32 $0x9;
	_ =	strace $0x80000048  }
0xb6: {  	_ =	swait.ge [sflag:s29], $0x1  }
0xb7: {  	[sflag:s29] =	ssyncadd.s32 $0xFFFFFFFF  }
0xb8: {  	_ =	strace $0x90000048  }
0xb9: {  	_ =	sfence  }
0xba: {  	s30 =	sld [smem:$0x0];
	_ =	sdelay $0x2  }
0xbb: {  	s31 =	sshll.u32 s1, $0xD;
	s1 =	sshrl.u32 s1, $0x2  }
0xbc: {  	s3 =	sand.u32 $0x4000, s31;
	s1 =	sadd.s32 s1, s30  }
0xbd: {  	s0 =	sor.u32 s3, s0;
	s1 =	sshll.u32 s1, $0x11  }
0xbe: {  	s0 =	sor.u32 s1, s0  }
0xbf: {  	s0 =	sadd.s32 $0x8F2B, s0  }
0xc0: {  	[sflag:s0] =	ssyncadd.remote.s32 $0x1  }
0xc1: {  	_ =	sfence.sel $0xFFFF  }
0xc2: {  	[dreg:$0x0] =	wrdreg $0xFFFFFFFF;
	(pc) =	sbr.abs _section_cstart, $3  }
0xc3: {  	[dreg:$0x1] =	wrdreg $0xFFFFFFFF  }
0xc4: {  	_ =	task.clear_ibuf [dreg:s8], $0x2FFFF;
	_ =	strace $0x9FFFFFFF  }
0xc5: {  	(tm) =	ssettm $0x7FFFFFFF  }
tec
execute0_lowered:
.L_overlay_start_1:
0x0: {  	(tag) =	ssettag $0x1  }
0x1: {  	s9 =	rddreg [dreg:$0x0]  }
0x2: {  	s3 =	rddreg [dreg:$0x1]  }
0x3: {  	s6 =	rddreg [dreg:$0x2]  }
0x4: {  	s4 =	rddreg [dreg:$0x3]  }
0x5: {  	s0 =	rddreg [dreg:$0x4];
	s1 =	simm.s32 $0x0  }
0x6: {  	s5 =	srdreg.scid;
	s2 =	stileid.u32;
	s16 =	simm.s32 $0x1  }
0x7: {  	s17 =	simm.s32 $0x12200;
	s18 =	simm.s32 $0x80;
	s19 =	simm.s32 $0x400  }
0x8: {  	[smem:$0x7FF] =	sst s1;
	s10 =	sadd.s32 $0x800, s3;
	s11 =	sand.u32 $0x1, s5  }
0x9: {  	s23 =	sshll.u32 s2, $0xA;
	s8 =	sshll.u32 s2, $0x1;
	s15 =	sshll.u32 s2, $0xD  }
0xa: {  	s29 =	sshll.u32 s2, $0x8;
	_ =	strace $0x80000047;
	s7 =	ssub.s32 $0x2, s11  }
0xb: {  	s12 =	sadd.s32 s23, s3;
	s13 =	sor.u32 s11, s8;
	s3 =	sadd.s32 s15, s4  }
0xc: {  	s28 =	sshll.u32 s11, $0xE;
	s8 =	sand.u32 $0xC00, s29;
	s31 =	sshll.u32 s11, $0x5  }
0xd: {  	s15 =	sadd.s32 s15, s9;
	s11 =	sshll.u32 s11, $0xC;
	s24 =	sshrl.u32 s7, $0x1  }
0xe: {  	s25 =	sshll.u32 s13, $0xC;
	s26 =	sshll.u32 s13, $0x5;
	s30 =	sshll.u32 s13, $0x4  }
0xf: {  	s8 =	sadd.s32 s6, s8;
	s6 =	sshll.u32 s2, $0x6;
	s11 =	sadd.s32 s11, s15  }
0x10: {  	s15 =	simm.s32 $0x10000;
	s14 =	ssub.s32 s7, s24;
	s4 =	sadd.s32 s9, s25  }
0x11: {  	s5 =	sadd.s32 s10, s26;
	s7 =	sadd.s32 s28, s12;
	s12 =	sand.u32 $0x70, s30  }
0x12: {  	s10 =	sadd.s32 s6, s10;
	s11 =	sadd.s32 $0x40000, s11;
	s7 =	sadd.s32 $0xA600, s7  }
0x13: {  	s8 =	sadd.s32 s12, s8;
	s9 =	smax.u32 s14, $0x1;
	s10 =	sadd.s32 s31, s10  }
0x14: {  	v0 =	vimm.f32 $0.0e+00;
	v1 =	vimm.f32 $1.000000000e+00;
	s12 =	sor.u32 $0x20, s13;
	s13 =	simm.s32 $0x10200;
	s14 =	simm.s32 $0x3  }
.LBB2_1:
0x15: {  	s20 =	simm.s32 $0x0;
	s21 =	simm.s32 $0x200  }
.LBB2_2:
0x16: {  	p0 =	sne.s32 s21, $0x7E00;
	[tilespmem:s20+$0x10270] =	vst v0  }
0x17: {  	[tilespmem:s20+$0x10200] =	vst v0  }
0x18: {  	[tilespmem:s20+$0x10210] =	vst v0  }
.Ltmp0:
0x19: {  	[tilespmem:s20+$0x10220] =	vst v0;
	(pc) =	sbr.rel @p0 .LBB2_2-.Ltmp0, $4  }
0x1a: {  	[tilespmem:s20+$0x10230] =	vst v0  }
0x1b: {  	[tilespmem:s20+$0x10240] =	vst v0  }
0x1c: {  	[tilespmem:s20+$0x10250] =	vst v0  }
0x1d: {  	[tilespmem:s20+$0x10260] =	vst v0;
	s20 =	sshra.s32 s21, $0x2;
	s21 =	sadd.s32 $0x200, s21  }
0x1e: {  	[tilespmem:s20+$0x10270] =	vst v0  }
0x1f: {  	[tilespmem:s20+$0x10200] =	vst v0  }
0x20: {  	[tilespmem:s20+$0x10210] =	vst v0  }
0x21: {  	[tilespmem:s20+$0x10220] =	vst v0  }
0x22: {  	[tilespmem:s20+$0x10230] =	vst v0  }
0x23: {  	[tilespmem:s20+$0x10240] =	vst v0  }
0x24: {  	[tilespmem:s20+$0x10250] =	vst v0  }
0x25: {  	[tilespmem:s20+$0x10260] =	vst v0  }
0x26: {  	[tilespmem:$0x12200] =	vst v0  }
0x27: {  	[tilespmem:$0x12210] =	vst v0  }
0x28: {  	[tilespmem:$0x12220] =	vst v0  }
0x29: {  	[tilespmem:$0x12230] =	vst v0  }
0x2a: {  	[tilespmem:$0x12240] =	vst v0  }
0x2b: {  	[tilespmem:$0x12250] =	vst v0  }
0x2c: {  	[tilespmem:$0x12260] =	vst v0  }
0x2d: {  	[tilespmem:$0x12270] =	vst v0  }
0x2e: {  	[tilespmem:$0x12280] =	vst v0  }
0x2f: {  	[tilespmem:$0x12290] =	vst v0  }
0x30: {  	[tilespmem:$0x122A0] =	vst v0  }
0x31: {  	[tilespmem:$0x122B0] =	vst v0  }
0x32: {  	[tilespmem:$0x122C0] =	vst v0  }
0x33: {  	[tilespmem:$0x122D0] =	vst v0  }
0x34: {  	[tilespmem:$0x122E0] =	vst v0  }
0x35: {  	[tilespmem:$0x122F0] =	vst v0  }
0x36: {  	[tilespmem:$0x12300] =	vst v0  }
0x37: {  	[tilespmem:$0x12310] =	vst v0  }
0x38: {  	[tilespmem:$0x12320] =	vst v0  }
0x39: {  	[tilespmem:$0x12330] =	vst v0  }
0x3a: {  	[tilespmem:$0x12340] =	vst v0  }
0x3b: {  	[tilespmem:$0x12350] =	vst v0  }
0x3c: {  	[tilespmem:$0x12360] =	vst v0  }
0x3d: {  	[tilespmem:$0x12370] =	vst v0  }
0x3e: {  	[tilespmem:$0x12380] =	vst v0  }
0x3f: {  	[tilespmem:$0x12390] =	vst v0  }
0x40: {  	[tilespmem:$0x123A0] =	vst v0  }
0x41: {  	[tilespmem:$0x123B0] =	vst v0  }
0x42: {  	[tilespmem:$0x123C0] =	vst v0  }
0x43: {  	[tilespmem:$0x123D0] =	vst v0  }
0x44: {  	[tilespmem:$0x123E0] =	vst v0  }
0x45: {  	[tilespmem:$0x123F0] =	vst v0  }
0x46: {  	[tilespmem:$0x12400] =	vst v0  }
0x47: {  	[tilespmem:$0x12410] =	vst v0  }
0x48: {  	[tilespmem:$0x12420] =	vst v0  }
0x49: {  	[tilespmem:$0x12430] =	vst v0  }
0x4a: {  	[tilespmem:$0x12440] =	vst v0  }
0x4b: {  	[tilespmem:$0x12450] =	vst v0  }
0x4c: {  	[tilespmem:$0x12460] =	vst v0  }
0x4d: {  	[tilespmem:$0x12470] =	vst v0  }
0x4e: {  	[tilespmem:$0x12480] =	vst v0  }
0x4f: {  	[tilespmem:$0x12490] =	vst v0  }
0x50: {  	[tilespmem:$0x124A0] =	vst v0  }
0x51: {  	[tilespmem:$0x124B0] =	vst v0  }
0x52: {  	[tilespmem:$0x124C0] =	vst v0  }
0x53: {  	[tilespmem:$0x124D0] =	vst v0  }
0x54: {  	[tilespmem:$0x124E0] =	vst v0  }
0x55: {  	[tilespmem:$0x124F0] =	vst v0  }
0x56: {  	[tilespmem:$0x12500] =	vst v0  }
0x57: {  	[tilespmem:$0x12510] =	vst v0  }
0x58: {  	[tilespmem:$0x12520] =	vst v0  }
0x59: {  	[tilespmem:$0x12530] =	vst v0  }
0x5a: {  	[tilespmem:$0x12540] =	vst v0  }
0x5b: {  	[tilespmem:$0x12550] =	vst v0  }
0x5c: {  	[tilespmem:$0x12560] =	vst v0  }
0x5d: {  	[tilespmem:$0x12570] =	vst v0  }
0x5e: {  	[tilespmem:$0x12580] =	vst v0  }
0x5f: {  	[tilespmem:$0x12590] =	vst v0  }
0x60: {  	[tilespmem:$0x125A0] =	vst v0  }
0x61: {  	[tilespmem:$0x125B0] =	vst v0  }
0x62: {  	[tilespmem:$0x125C0] =	vst v0  }
0x63: {  	[tilespmem:$0x125D0] =	vst v0  }
0x64: {  	[tilespmem:$0x125E0] =	vst v0  }
0x65: {  	[tilespmem:$0x125F0] =	vst v0  }
0x66: {  	[spmem:s3] =	stream.linear.scatter [tilespmem:s13], [sflag:$0x3], $0x2000, $0x38;
	[tilespmem:$0x14600] =	vst v63  }
0x67: {  	_ =	swait.ge [sflag:s14], $0x2000  }
0x68: {  	[sflag:s14] =	ssyncset.done $0x0  }
0x69: {  	[sflag:s14] =	ssyncadd.s32 $0xFFFFE000  }
0x6a: {  	s20 =	simm.s32 $0x0;
	[bflag:$0x0] =	sbarrier.arrive $0xFFFF  }
0x6b: {  	[tilespmem:s20], [sflag:$0x1] =	stream.linear.gather [hbm4b:s4+s20], $0x8000, $0x38;
	[tilespmem:$0x14600] =	vst v63  }
0x6c: {  	s21 =	smov.u32 s12;
	s22 =	smov.u32 s11  }
0x6d: {  	[tilespmem:s15], [sflag:$0x1] =	stream.linear.gather [hbm4b:s5+s20], $0x100, $0x38;
	[tilespmem:$0x14600] =	vst v63  }
.LBB2_4:
0x6e: {  	p0 =	sgt.u32 s21, $0x4E1  }
0x6f: {  	s23 =	sadd.s32 @!p0 $0xFFFE0000, s22;
	s24 =	simm.s32 @!p0 $0x0;
	s25 =	simm.s32 @!p0 $0x8000  }
0x70: {  	[tilespmem:s25], [sflag:$0x2] =	stream.linear.gather @!p0 [hbm4b:s23+s24], $0x8000, $0x38;
	[tilespmem:$0x14600] =	vst v63  }
0x71: {  	s23 =	sadd.s32 @!p0 s20, s10  }
0x72: {  	s25 =	simm.s32 @!p0 $0x10100;
	s23 =	sadd.s32 @!p0 $0x400, s23  }
0x73: {  	[tilespmem:s25], [sflag:$0x2] =	stream.linear.gather @!p0 [hbm4b:s23+s24], $0x100, $0x38;
	[tilespmem:$0x14600] =	vst v63  }
0x74: {  	_ =	swait.ge [sflag:s16], $0x8000  }
0x75: {  	[sflag:s16] =	ssyncset.done $0x0  }
0x76: {  	[sflag:s16] =	ssyncadd.s32 $0xFFFF8000  }
0x77: {  	_ =	swait.ge [sflag:s16], $0x100  }
0x78: {  	[sflag:s16] =	ssyncset.done $0x0  }
0x79: {  	[sflag:s16] =	ssyncadd.s32 $0xFFFFFF00  }
0x7a: {  	v2 =	vld [tilespmem:$0x10000];
	_ =	sdelay $0x7  }
0x7b: {  	[tilespmem:v2+s17+$0x0] =	vst.idx.add.f32.msk $0xffff, v1  }
0x7c: {  	v2 =	vld [tilespmem:$0x10010];
	_ =	sdelay $0x7  }
0x7d: {  	[tilespmem:v2+s17+$0x0] =	vst.idx.add.f32.msk $0xffff, v1  }
0x7e: {  	v2 =	vld [tilespmem:$0x10020];
	_ =	sdelay $0x7  }
0x7f: {  	[tilespmem:v2+s17+$0x0] =	vst.idx.add.f32.msk $0xffff, v1  }
0x80: {  	v2 =	vld [tilespmem:$0x10030];
	_ =	sdelay $0x7  }
0x81: {  	[tilespmem:v2+s17+$0x0] =	vst.idx.add.f32.msk $0xffff, v1  }
0x82: {  	v2 =	vld [tilespmem:$0x10040];
	_ =	sdelay $0x7  }
0x83: {  	[tilespmem:v2+s17+$0x0] =	vst.idx.add.f32.msk $0xffff, v1  }
0x84: {  	v2 =	vld [tilespmem:$0x10050];
	_ =	sdelay $0x7  }
0x85: {  	[tilespmem:v2+s17+$0x0] =	vst.idx.add.f32.msk $0xffff, v1  }
0x86: {  	v2 =	vld [tilespmem:$0x10060];
	_ =	sdelay $0x7  }
0x87: {  	[tilespmem:v2+s17+$0x0] =	vst.idx.add.f32.msk $0xffff, v1  }
0x88: {  	v2 =	vld [tilespmem:$0x10070];
	_ =	sdelay $0x7  }
0x89: {  	[tilespmem:v2+s17+$0x0] =	vst.idx.add.f32.msk $0xffff, v1  }
0x8a: {  	v2 =	vld [tilespmem:$0x10080];
	_ =	sdelay $0x7  }
0x8b: {  	[tilespmem:v2+s17+$0x0] =	vst.idx.add.f32.msk $0xffff, v1  }
0x8c: {  	v2 =	vld [tilespmem:$0x10090];
	_ =	sdelay $0x7  }
0x8d: {  	[tilespmem:v2+s17+$0x0] =	vst.idx.add.f32.msk $0xffff, v1  }
0x8e: {  	v2 =	vld [tilespmem:$0x100A0];
	_ =	sdelay $0x7  }
0x8f: {  	[tilespmem:v2+s17+$0x0] =	vst.idx.add.f32.msk $0xffff, v1  }
0x90: {  	v2 =	vld [tilespmem:$0x100B0];
	_ =	sdelay $0x7  }
0x91: {  	[tilespmem:v2+s17+$0x0] =	vst.idx.add.f32.msk $0xffff, v1  }
0x92: {  	v2 =	vld [tilespmem:$0x100C0];
	_ =	sdelay $0x7  }
0x93: {  	[tilespmem:v2+s17+$0x0] =	vst.idx.add.f32.msk $0xffff, v1  }
0x94: {  	v2 =	vld [tilespmem:$0x100D0];
	_ =	sdelay $0x7  }
0x95: {  	[tilespmem:v2+s17+$0x0] =	vst.idx.add.f32.msk $0xffff, v1  }
0x96: {  	v2 =	vld [tilespmem:$0x100E0];
	_ =	sdelay $0x7  }
0x97: {  	[tilespmem:v2+s17+$0x0] =	vst.idx.add.f32.msk $0xffff, v1  }
0x98: {  	v2 =	vld [tilespmem:$0x100F0];
	_ =	sdelay $0x5  }
0x99: {  	p1 =	sgt.u32 @!p0 s21, $0x4C1  }
0x9a: {  	p1 =	por p1, p0  }
0x9b: {  	s23 =	simm.s32 @!p1 $0x0;
	s24 =	sadd.s32 @!p1 s20, s10;
	[tilespmem:v2+s17+$0x0] =	vst.idx.add.f32.msk $0xffff, v1  }
0x9c: {  	[tilespmem:s23], [sflag:$0x1] =	stream.linear.gather @!p1 [hbm4b:s22+s23], $0x8000, $0x38;
	[tilespmem:$0x14600] =	vst v63  }
0x9d: {  	s25 =	simm.s32 @!p1 $0x10000;
	s24 =	sadd.s32 @!p1 $0x800, s24  }
0x9e: {  	[tilespmem:s25], [sflag:$0x1] =	stream.linear.gather @!p1 [hbm4b:s24+s23], $0x100, $0x38;
	[tilespmem:$0x14600] =	vst v63  }
0x9f: {  	s23 =	simm.s32 @!p0 $0x2  }
0xa0: {  	_ =	swait.ge @!p0 [sflag:s23], $0x8000  }
0xa1: {  	[sflag:s23] =	ssyncset.done @!p0 $0x0  }
0xa2: {  	[sflag:s23] =	ssyncadd.s32 @!p0 $0xFFFF8000  }
0xa3: {  	_ =	swait.ge @!p0 [sflag:s23], $0x100  }
0xa4: {  	[sflag:s23] =	ssyncset.done @!p0 $0x0  }
0xa5: {  	[sflag:s23] =	ssyncadd.s32 @!p0 $0xFFFFFF00  }
0xa6: {  	v2 =	vld @!p0 [tilespmem:$0x10100];
	_ =	sdelay $0x6  }
0xa7: {  	v3 =	vimm.f32 @!p0 $1.000000000e+00;
	s23 =	simm.s32 @!p0 $0x12200  }
0xa8: {  	[tilespmem:v2+s23+$0x0] =	vst.idx.add.f32.msk @!p0 $0xffff, v3  }
0xa9: {  	v2 =	vld @!p0 [tilespmem:$0x10110];
	_ =	sdelay $0x7  }
0xaa: {  	[tilespmem:v2+s23+$0x0] =	vst.idx.add.f32.msk @!p0 $0xffff, v3  }
0xab: {  	v2 =	vld @!p0 [tilespmem:$0x10120];
	_ =	sdelay $0x7  }
0xac: {  	[tilespmem:v2+s23+$0x0] =	vst.idx.add.f32.msk @!p0 $0xffff, v3  }
0xad: {  	v2 =	vld @!p0 [tilespmem:$0x10130];
	_ =	sdelay $0x7  }
0xae: {  	[tilespmem:v2+s23+$0x0] =	vst.idx.add.f32.msk @!p0 $0xffff, v3  }
0xaf: {  	v2 =	vld @!p0 [tilespmem:$0x10140];
	_ =	sdelay $0x7  }
0xb0: {  	[tilespmem:v2+s23+$0x0] =	vst.idx.add.f32.msk @!p0 $0xffff, v3  }
0xb1: {  	v2 =	vld @!p0 [tilespmem:$0x10150];
	_ =	sdelay $0x7  }
0xb2: {  	[tilespmem:v2+s23+$0x0] =	vst.idx.add.f32.msk @!p0 $0xffff, v3  }
0xb3: {  	v2 =	vld @!p0 [tilespmem:$0x10160];
	_ =	sdelay $0x7  }
0xb4: {  	[tilespmem:v2+s23+$0x0] =	vst.idx.add.f32.msk @!p0 $0xffff, v3  }
0xb5: {  	v2 =	vld @!p0 [tilespmem:$0x10170];
	_ =	sdelay $0x7  }
0xb6: {  	[tilespmem:v2+s23+$0x0] =	vst.idx.add.f32.msk @!p0 $0xffff, v3  }
0xb7: {  	v2 =	vld @!p0 [tilespmem:$0x10180];
	_ =	sdelay $0x7  }
0xb8: {  	[tilespmem:v2+s23+$0x0] =	vst.idx.add.f32.msk @!p0 $0xffff, v3  }
0xb9: {  	v2 =	vld @!p0 [tilespmem:$0x10190];
	_ =	sdelay $0x7  }
0xba: {  	[tilespmem:v2+s23+$0x0] =	vst.idx.add.f32.msk @!p0 $0xffff, v3  }
0xbb: {  	v2 =	vld @!p0 [tilespmem:$0x101A0];
	_ =	sdelay $0x7  }
0xbc: {  	[tilespmem:v2+s23+$0x0] =	vst.idx.add.f32.msk @!p0 $0xffff, v3  }
0xbd: {  	v2 =	vld @!p0 [tilespmem:$0x101B0];
	_ =	sdelay $0x7  }
0xbe: {  	[tilespmem:v2+s23+$0x0] =	vst.idx.add.f32.msk @!p0 $0xffff, v3  }
0xbf: {  	v2 =	vld @!p0 [tilespmem:$0x101C0];
	_ =	sdelay $0x7  }
0xc0: {  	[tilespmem:v2+s23+$0x0] =	vst.idx.add.f32.msk @!p0 $0xffff, v3  }
0xc1: {  	v2 =	vld @!p0 [tilespmem:$0x101D0];
	_ =	sdelay $0x7  }
0xc2: {  	[tilespmem:v2+s23+$0x0] =	vst.idx.add.f32.msk @!p0 $0xffff, v3  }
0xc3: {  	v2 =	vld @!p0 [tilespmem:$0x101E0];
	_ =	sdelay $0x7  }
0xc4: {  	[tilespmem:v2+s23+$0x0] =	vst.idx.add.f32.msk @!p0 $0xffff, v3  }
0xc5: {  	v2 =	vld @!p0 [tilespmem:$0x101F0];
	_ =	sdelay $0x1  }
0xc6: {  	s20 =	sadd.s32 $0x800, s20  }
0xc7: {  	p1 =	sne.s32 s20, $0xA000  }
.Ltmp1:
0xc8: {  	_ = 	snop;
	(pc) =	sbr.rel @p1 .LBB2_4-.Ltmp1, $2  }
0xc9: {  	_ =	sdelay $0x2  }
0xca: {  	s21 =	sadd.s32 $0x40, s21;
	s22 =	sadd.s32 $0x40000, s22;
	[tilespmem:v2+s23+$0x0] =	vst.idx.add.f32.msk @!p0 $0xffff, v3  }
0xcb: {  	[bflag:$0x0] =	sbarrier.arrive $0xFFFF;
	s20 =	sor.u32 $0x1C03, s6;
	s21 =	sshrl.u32 s3, $0x3  }
0xcc: {  	[hbm:s7], [sflag:s20] =	dma.local [spmem:s21], $0x400  }
0xcd: {  	s1 =	sadd.s32 $0x1, s1;
	_ =	swait.ge [sflag:s14], $0x400  }
0xce: {  	p0 =	sne.s32 s1, s9;
	[sflag:s14] =	ssyncset.done $0x0  }
.Ltmp2:
0xcf: {  	[sflag:s14] =	ssyncadd.s32 $0xFFFFFC00;
	(pc) =	sbr.rel @p0 .LBB2_1-.Ltmp2, $4  }
0xd0: {  	[hbm4b:s8+s18] =	stream.strided.scatter [tilespmem:s17], [sflag:$0x3], $0x400, s19, s18, $0x38;
	[tilespmem:$0x14600] =	vst v63  }
0xd1: {  	_ =	swait.ge [sflag:s14], $0x400  }
0xd2: {  	[sflag:s14] =	ssyncset.done $0x0  }
0xd3: {  	[sflag:s14] =	ssyncadd.s32 $0xFFFFFC00  }
0xd4: {  	_ =	sfence.sel $0x180000  }
0xd5: {  	[bflag:$0x0] =	sbarrier.arrive $0xFFFF  }
0xd6: {  	p0 =	sne.s32 s2, $0x0;
	_ =	strace $0x90000047  }
0xd7: {  	s0 =	sadd.s32 @!p0 $0x100000, s0;
	[bflag:$0x2] =	sbarrier.arrive $0xFFFF  }
0xd8: {  	[sflag:s0] =	ssyncadd.tile.s32 @!p0 $0x1;
	_ =	shalt  }
.Lfunc_end2:
_tile_overlayer_lowered:
.L_overlay_start_2:
0xd9: {  	(tag) =	ssettag $0x2  }
0xda: {  	s0 =	rddreg [dreg:$0x0];
	s2 =	stileid.u32  }
0xdb: {  	s1 =	rddreg [dreg:$0x1];
	p0 =	sne.s32 s2, $0x0  }
0xdc: {  	s3 =	rddreg [dreg:$0x2];
	[bflag:$0x3] =	sbarrier.arrive $0xFFFF;
	s2 =	simm.s32 @!p0 $0x1C03  }
0xdd: {  	[timem:s3], [sflag:s2] =	dma.local @!p0 [hbm:s0], s1  }
0xde: {  	s0 =	simm.s32 @!p0 $0x3  }
0xdf: {  	_ =	swait.ge @!p0 [sflag:s0], s1  }
0xe0: {  	s1 =	ssub.s32 @!p0 $0x0, s1;
	[sflag:s0] =	ssyncset.done @!p0 $0x0  }
0xe1: {  	[sflag:s0] =	ssyncadd.s32 @!p0 s1  }
0xe2: {  	[bflag:$0x3] =	sbarrier.arrive $0xFFFF  }
0xe3: {  	_ =	shalt  }

</sc_bundles>
